<compile_context>
chip_gen: v7x
topology: tpu7x:2x2x1
jax: 0.10.2.dev20260603
libtpu: 0.0.44.dev20260713+nightly
codegen_flags: <defaults>
</compile_context>

<pallas_src>
import functools

import jax
import jax.numpy as jnp
from jax import lax
from jax.experimental import pallas as pl
from jax.experimental.pallas import tpu as pltpu
from jax.experimental.pallas import tpu_sc as plsc

BATCH = 16384
EMB_DIM = 256
OTHER_DIM = 32
HIDDEN = 64
OUT_DIM = 64
IN1 = 2 * EMB_DIM + OTHER_DIM

NC = 2
NS = 16
NW = NC * NS
CHUNK = 128

CHUNKS = (8192, 8192)
L = 16

BB = 4096


def _make_sc_gather(chunk_start: int, cb: int):
    mesh = plsc.VectorSubcoreMesh(core_axis_name="c", subcore_axis_name="s")
    nidx_c = 2 * cb
    BPW = nidx_c // NW
    NCHUNK = BPW // CHUNK
    nbuf = min(3, NCHUNK)

    @functools.partial(
        pl.kernel,
        mesh=mesh,
        out_type=jax.ShapeDtypeStruct((nidx_c, EMB_DIM), jnp.float32),
        scratch_types=[
            pltpu.VMEM((BPW,), jnp.float32),
            pltpu.VMEM((BPW,), jnp.int32),
        ] + [pltpu.VMEM((CHUNK, EMB_DIM), jnp.float32) for _ in range(nbuf)] + [
            pltpu.SemaphoreType.DMA,
            pltpu.SemaphoreType.DMA,
        ],
    )
    def gather_k(table_hbm, xt_hbm, out_hbm, idx_f, idx_v, *rest):
        rows, (sem_g, sem_o) = rest[:nbuf], rest[nbuf:]
        wid = lax.axis_index("s") * NC + lax.axis_index("c")
        base = wid * BPW
        id_row = base // cb
        src_off = chunk_start + base - id_row * cb

        pltpu.sync_copy(xt_hbm.at[id_row, pl.ds(src_off, BPW)], idx_f)

        def conv(k, carry):
            idx_v[pl.ds(k * L, L)] = idx_f[pl.ds(k * L, L)].astype(jnp.int32)
            return carry

        lax.fori_loop(0, BPW // L, conv, 0)

        gathers = [None] * nbuf
        outs = [None] * nbuf
        for j in range(NCHUNK):
            b = j % nbuf
            if j >= nbuf:
                outs[b].wait()
            gathers[b] = pltpu.async_copy(
                table_hbm.at[idx_v.at[pl.ds(j * CHUNK, CHUNK)]], rows[b], sem_g
            )
            if j >= 1:
                bp = (j - 1) % nbuf
                gathers[bp].wait()
                outs[bp] = pltpu.async_copy(
                    rows[bp], out_hbm.at[pl.ds(base + (j - 1) * CHUNK, CHUNK)], sem_o
                )
        bl = (NCHUNK - 1) % nbuf
        gathers[bl].wait()
        outs[bl] = pltpu.async_copy(
            rows[bl], out_hbm.at[pl.ds(base + (NCHUNK - 1) * CHUNK, CHUNK)], sem_o
        )
        for c in range(max(0, NCHUNK - nbuf), NCHUNK):
            outs[c % nbuf].wait()

    return gather_k


def _mlp_body(g1, g2, ot, w1t, b1, w2, b2, w3, b3, obuf, out):
    del obuf
    w1full = w1t[...]
    w1at = w1full[:, :EMB_DIM]
    w1bt = w1full[:, EMB_DIM : 2 * EMB_DIM]
    w1ct = w1full[:, 2 * EMB_DIM :]
    dn_rt = (((1,), (1,)), ((), ()))
    dn_lt = (((0,), (0,)), ((), ()))
    hg = (
        lax.dot_general(g1[...], w1at, dn_rt, preferred_element_type=jnp.float32)
        + lax.dot_general(g2[...], w1bt, dn_rt, preferred_element_type=jnp.float32)
        + b1[...]
    )
    h1t = hg.T + jnp.dot(w1ct, ot[...], preferred_element_type=jnp.float32)
    h1t = jnp.maximum(h1t, 0.0)
    h2t = jnp.maximum(
        lax.dot_general(w2[...], h1t, dn_lt, preferred_element_type=jnp.float32)
        + b2[...].T,
        0.0,
    )
    out[...] = (
        lax.dot_general(w3[...], h2t, dn_lt, preferred_element_type=jnp.float32)
        + b3[...].T
    )


def _mlp_call(block0, cb, gathered, other_t, W1t, b1, W2, b2, W3, b3, obuf=None):
    nb = cb // BB
    full = lambda shape: pl.BlockSpec(shape, lambda i: (0, 0))
    in_specs = [
        pl.BlockSpec((BB, EMB_DIM), lambda i: (i, 0)),
        pl.BlockSpec((BB, EMB_DIM), lambda i: (i + nb, 0)),
        pl.BlockSpec((OTHER_DIM, BB), lambda i: (0, i + block0)),
        full((HIDDEN, IN1)),
        full((1, HIDDEN)),
        full((HIDDEN, HIDDEN)),
        full((1, HIDDEN)),
        full((HIDDEN, OUT_DIM)),
        full((1, OUT_DIM)),
    ]
    args = [gathered, gathered, other_t, W1t, b1, W2, b2, W3, b3]
    aliases = {}
    if obuf is not None:
        in_specs.append(pl.BlockSpec(memory_space=pl.ANY))
        args.append(obuf)
        aliases = {9: 0}
        body = _mlp_body
    else:

        def body(*refs):
            _mlp_body(*refs[:9], None, refs[9])

    return pl.pallas_call(
        body,
        grid=(nb,),
        in_specs=in_specs,
        out_specs=pl.BlockSpec((OUT_DIM, BB), lambda i: (0, i + block0)),
        out_shape=jax.ShapeDtypeStruct((OUT_DIM, BATCH), jnp.float32),
        input_output_aliases=aliases,
    )(*args)


def kernel(x, emb, W1, b1, W2, b2, W3, b3):
    x_t = x.T
    other_t = x_t[2:]

    W1t = W1.T
    b1r = b1.reshape(1, HIDDEN)
    b2r = b2.reshape(1, HIDDEN)
    b3r = b3.reshape(1, OUT_DIM)

    obuf = None
    start = 0
    for cb in CHUNKS:
        gathered = _make_sc_gather(start, cb)(emb, x_t)
        obuf = _mlp_call(
            start // BB, cb, gathered, other_t, W1t, b1r, W2, b2r, W3, b3r, obuf
        )
        start += cb
    return obuf.T

# --- scband reference (transcript-rebuilt; emitter-appended) ---
"""Pipeline reference for scband-dqnembedding-35948876268146 (READ-ONLY COPY).

The authoritative reference and input builder live on the scoring server;
editing this copy changes nothing except your own understanding.
"""

import jax, jax.numpy as jnp
import numpy as np

BATCH = 16384
VOCAB = 100000
EMB_DIM = 256
OTHER_DIM = 32
HIDDEN = 64
OUT_DIM = 64

def setup_inputs(seed: int = 0) -> dict:
    key = jax.random.key(seed)
    k_idx, k_other, k_emb, k_w1, k_b1, k_w2, k_b2, k_w3, k_b3 = jax.random.split(key, 9)
    # x: first two columns are integer ids (stored as float32), rest are dense features
    idx = jax.random.randint(k_idx, (BATCH, 2), 0, VOCAB).astype(jnp.float32)
    other = jax.random.normal(k_other, (BATCH, OTHER_DIM), dtype=jnp.float32)
    x = jnp.concatenate([idx, other], axis=-1)
    emb = jax.random.normal(k_emb, (VOCAB, EMB_DIM), dtype=jnp.float32) * 0.02
    in1 = EMB_DIM * 2 + OTHER_DIM
    W1 = jax.random.normal(k_w1, (in1, HIDDEN), dtype=jnp.float32) * (1.0 / np.sqrt(in1))
    b1 = jax.random.normal(k_b1, (HIDDEN,), dtype=jnp.float32) * 0.01
    W2 = jax.random.normal(k_w2, (HIDDEN, HIDDEN), dtype=jnp.float32) * (1.0 / np.sqrt(HIDDEN))
    b2 = jax.random.normal(k_b2, (HIDDEN,), dtype=jnp.float32) * 0.01
    W3 = jax.random.normal(k_w3, (HIDDEN, OUT_DIM), dtype=jnp.float32) * (1.0 / np.sqrt(HIDDEN))
    b3 = jax.random.normal(k_b3, (OUT_DIM,), dtype=jnp.float32) * 0.01
    return {"x": x, "emb": emb, "W1": W1, "b1": b1, "W2": W2, "b2": b2, "W3": W3, "b3": b3}

def reference(x, emb, W1, b1, W2, b2, W3, b3):
    idx1 = x[:, 0].astype(jnp.int32)
    idx2 = x[:, 1].astype(jnp.int32)
    x1 = jnp.take(emb, idx1, axis=0)
    x2 = jnp.take(emb, idx2, axis=0)
    h = jnp.concatenate([x1, x2, x[:, 2:]], axis=-1)
    h = jax.nn.relu(h @ W1 + b1)
    h = jax.nn.relu(h @ W2 + b2)
    return h @ W3 + b3

if __name__ == "__main__":
    import jax
    _d = setup_inputs()
    print(jax.jit(kernel)(*tuple(_d.values())))

</pallas_src>

<mosaic_0001>
#map = affine_map<(d0, d1) -> (0, 0)>
module attributes {stable_mosaic.version = 14 : i64} {
  func.func @gather_k(%arg0: i32, %arg1: i32, %arg2: memref<100000x256xf32, #tpu.memory_space<hbm>>, %arg3: memref<34x16384xf32, #tpu.memory_space<hbm>>, %arg4: memref<16384x256xf32, #tpu.memory_space<hbm>>, %arg5: memref<512xf32, #tpu.memory_space<vmem>>, %arg6: memref<512xi32, #tpu.memory_space<vmem>>, %arg7: memref<128x256xf32, #tpu.memory_space<vmem>>, %arg8: memref<128x256xf32, #tpu.memory_space<vmem>>, %arg9: memref<128x256xf32, #tpu.memory_space<vmem>>, %arg10: memref<!tpu.dma_semaphore, #tpu.memory_space<semaphore_mem>>, %arg11: memref<!tpu.dma_semaphore, #tpu.memory_space<semaphore_mem>>) attributes {dimension_semantics = [#tpu.dimension_semantics<core_parallel>, #tpu.dimension_semantics<subcore_parallel>], iteration_bounds = array<i64: 2, 16>, scalar_prefetch = 0 : i64, scratch_operands = 7 : i64, tpu.core_type = #tpu.core_type<sc_vector_subcore>, window_params = [{transform_indices = #map}, {transform_indices = #map}, {transform_indices = #map}]} {
    %mul3A = arith.constant 2 : i32
    %mul3A_0 = arith.muli %arg1, %mul3A : i32
    %add3A = arith.addi %mul3A_0, %arg0 : i32
    %mul3A_1 = arith.constant 512 : i32
    %mul3A_2 = arith.muli %add3A, %mul3A_1 : i32
    %jit3A = arith.constant 8192 : i32
    %div3A = arith.divsi %mul3A_2, %jit3A : i32
    %sign3A = arith.constant 0 : i32
    %sign3A_3 = arith.cmpi sgt, %mul3A_2, %sign3A : i32
    %sign3A_4 = arith.extui %sign3A_3 : i1 to i32
    %sign3A_5 = arith.constant 0 : i32
    %sign3A_6 = arith.cmpi slt, %mul3A_2, %sign3A_5 : i32
    %sign3A_7 = arith.extui %sign3A_6 : i1 to i32
    %sign3A_8 = arith.subi %sign3A_4, %sign3A_7 : i32
    %sign3A_9 = arith.constant 0 : i32
    %sign3A_10 = arith.cmpi sgt, %jit3A, %sign3A_9 : i32
    %sign3A_11 = arith.extui %sign3A_10 : i1 to i32
    %sign3A_12 = arith.constant 0 : i32
    %sign3A_13 = arith.cmpi slt, %jit3A, %sign3A_12 : i32
    %sign3A_14 = arith.extui %sign3A_13 : i1 to i32
    %sign3A_15 = arith.subi %sign3A_11, %sign3A_14 : i32
    %ne3A = arith.cmpi ne, %sign3A_8, %sign3A_15 : i32
    %rem3A = arith.remsi %mul3A_2, %jit3A : i32
    %ne3A_16 = arith.constant 0 : i32
    %ne3A_17 = arith.cmpi ne, %rem3A, %ne3A_16 : i32
    %and3A = arith.andi %ne3A, %ne3A_17 : i1
    %sub3A = arith.constant 1 : i32
    %sub3A_18 = arith.subi %div3A, %sub3A : i32
    %select_n3A = arith.select %and3A, %sub3A_18, %div3A : i32
    %add3A_19 = arith.constant 8192 : i32
    %add3A_20 = arith.addi %add3A_19, %mul3A_2 : i32
    %mul3A_21 = arith.constant 8192 : i32
    %mul3A_22 = arith.muli %select_n3A, %mul3A_21 : i32
    %sub3A_23 = arith.subi %add3A_20, %mul3A_22 : i32
    "tpu.region"() ({
      %run_scoped3A = tpu.sem_alloc : memref<!tpu.dma_semaphore, #tpu.memory_space<semaphore_mem>>
      %dma_start3A_107 = tpu.memref_slice %arg3[%select_n3A, %sub3A_23] : memref<34x16384xf32, #tpu.memory_space<hbm>> -> memref<1x512xf32, #tpu.memory_space<hbm>>
      %dma_start3A_108 = tpu.memref_squeeze %dma_start3A_107 : memref<1x512xf32, #tpu.memory_space<hbm>> -> memref<512xf32, #tpu.memory_space<hbm>>
      %dma_start3A_109 = tpu.memref_slice %arg3[%select_n3A, %sub3A_23] : memref<34x16384xf32, #tpu.memory_space<hbm>> -> memref<1x512xf32, #tpu.memory_space<hbm>>
      %dma_start3A_110 = tpu.memref_squeeze %dma_start3A_109 : memref<1x512xf32, #tpu.memory_space<hbm>> -> memref<512xf32, #tpu.memory_space<hbm>>
      tpu.enqueue_dma source(%dma_start3A_110 : memref<512xf32, #tpu.memory_space<hbm>>) target(%arg5 : memref<512xf32, #tpu.memory_space<vmem>>) target_semaphore(%run_scoped3A : memref<!tpu.dma_semaphore, #tpu.memory_space<semaphore_mem>>)
      %dma_wait3A_111 = tpu.memref_slice %arg3[%select_n3A, %sub3A_23] : memref<34x16384xf32, #tpu.memory_space<hbm>> -> memref<1x512xf32, #tpu.memory_space<hbm>>
      %dma_wait3A_112 = tpu.memref_squeeze %dma_wait3A_111 : memref<1x512xf32, #tpu.memory_space<hbm>> -> memref<512xf32, #tpu.memory_space<hbm>>
      %dma_wait3A_113 = tpu.memref_slice %arg3[%select_n3A, %sub3A_23] : memref<34x16384xf32, #tpu.memory_space<hbm>> -> memref<1x512xf32, #tpu.memory_space<hbm>>
      %dma_wait3A_114 = tpu.memref_squeeze %dma_wait3A_113 : memref<1x512xf32, #tpu.memory_space<hbm>> -> memref<512xf32, #tpu.memory_space<hbm>>
      tpu.wait_dma2 semaphore(%run_scoped3A : memref<!tpu.dma_semaphore, #tpu.memory_space<semaphore_mem>>) src(%dma_wait3A_114 : memref<512xf32, #tpu.memory_space<hbm>>) dst(%arg5 : memref<512xf32, #tpu.memory_space<vmem>>)
      tpu.yield
    }) : () -> ()
    %scan3A = arith.constant 0 : i32
    %scan3A_24 = arith.constant 0 : i32
    %scan3A_25 = arith.constant 32 : i32
    %scan3A_26 = arith.addi %scan3A_24, %scan3A_25 : i32
    %scan3A_27 = arith.constant 1 : i32
    scf.for %scan3A_107 = %scan3A_24 to %scan3A_26 step %scan3A_27  : i32 {
      %mul3A_108 = arith.constant 16 : i32
      %mul3A_109 = arith.muli %scan3A_107, %mul3A_108 : i32
      %get3A = arith.index_cast %mul3A_109 : i32 to index
      %get3A_110 = tpu.vector_load %arg5[%get3A] {strides = array<i32>} : memref<512xf32, #tpu.memory_space<vmem>>, vector<16xf32>,
      %get3A_111 = vector.shape_cast %get3A_110 : vector<16xf32> to vector<16xf32>
      %convert_element_type3A = arith.fptosi %get3A_111 : vector<16xf32> to vector<16xi32>
      %mul3A_112 = arith.constant 16 : i32
      %mul3A_113 = arith.muli %scan3A_107, %mul3A_112 : i32
      %swap3A = arith.index_cast %mul3A_113 : i32 to index
      %swap3A_114 = tpu.vector_load %arg6[%swap3A] {strides = array<i32>} : memref<512xi32, #tpu.memory_space<vmem>>, vector<16xi32>,
      %swap3A_115 = vector.shape_cast %swap3A_114 : vector<16xi32> to vector<16xi32>
      %swap3A_116 = vector.shape_cast %convert_element_type3A : vector<16xi32> to vector<16xi32>
      tpu.vector_store %arg6[%swap3A], %swap3A_116 {strides = array<i32>} : memref<512xi32, #tpu.memory_space<vmem>>, vector<16xi32>,
    }
    %scan3A_28 = arith.constant 32 : i32
    %dma_start3A = arith.constant 0 : i32
    %dma_start3A_29 = tpu.memref_slice %arg6[%dma_start3A] : memref<512xi32, #tpu.memory_space<vmem>> -> memref<128xi32, #tpu.memory_space<vmem>>
    %dma_start3A_30 = arith.constant 0 : i32
    %dma_start3A_31 = arith.constant 0 : i32
    %dma_start3A_32 = tpu.memref_slice %arg2[%dma_start3A_30, %dma_start3A_31] : memref<100000x256xf32, #tpu.memory_space<hbm>> -> memref<100000x256xf32, #tpu.memory_space<hbm>>
    tpu.enqueue_indirect_dma source(%dma_start3A_32 : memref<100000x256xf32, #tpu.memory_space<hbm>>) target(%arg7 : memref<128x256xf32, #tpu.memory_space<vmem>>) offsets(%dma_start3A_29 : memref<128xi32, #tpu.memory_space<vmem>>) semaphore(%arg10 : memref<!tpu.dma_semaphore, #tpu.memory_space<semaphore_mem>>)
    %dma_start3A_33 = arith.constant 128 : i32
    %dma_start3A_34 = tpu.memref_slice %arg6[%dma_start3A_33] : memref<512xi32, #tpu.memory_space<vmem>> -> memref<128xi32, #tpu.memory_space<vmem>>
    %dma_start3A_35 = arith.constant 0 : i32
    %dma_start3A_36 = arith.constant 0 : i32
    %dma_start3A_37 = tpu.memref_slice %arg2[%dma_start3A_35, %dma_start3A_36] : memref<100000x256xf32, #tpu.memory_space<hbm>> -> memref<100000x256xf32, #tpu.memory_space<hbm>>
    tpu.enqueue_indirect_dma source(%dma_start3A_37 : memref<100000x256xf32, #tpu.memory_space<hbm>>) target(%arg8 : memref<128x256xf32, #tpu.memory_space<vmem>>) offsets(%dma_start3A_34 : memref<128xi32, #tpu.memory_space<vmem>>) semaphore(%arg10 : memref<!tpu.dma_semaphore, #tpu.memory_space<semaphore_mem>>)
    %dma_wait3A = arith.constant 0 : i32
    %dma_wait3A_38 = tpu.memref_slice %arg6[%dma_wait3A] : memref<512xi32, #tpu.memory_space<vmem>> -> memref<128xi32, #tpu.memory_space<vmem>>
    %dma_wait3A_39 = arith.constant 0 : i32
    %dma_wait3A_40 = arith.constant 0 : i32
    %dma_wait3A_41 = tpu.memref_slice %arg2[%dma_wait3A_39, %dma_wait3A_40] : memref<100000x256xf32, #tpu.memory_space<hbm>> -> memref<100000x256xf32, #tpu.memory_space<hbm>>
    tpu.wait_indirect_dma semaphore(%arg10 : memref<!tpu.dma_semaphore, #tpu.memory_space<semaphore_mem>>) src(%dma_wait3A_41 : memref<100000x256xf32, #tpu.memory_space<hbm>>) dst(%arg7 : memref<128x256xf32, #tpu.memory_space<vmem>>)
    %add3A_42 = arith.constant 0 : i32
    %add3A_43 = arith.addi %mul3A_2, %add3A_42 : i32
    %dma_start3A_44 = arith.constant 0 : i32
    %dma_start3A_45 = tpu.memref_slice %arg4[%add3A_43, %dma_start3A_44] : memref<16384x256xf32, #tpu.memory_space<hbm>> -> memref<128x256xf32, #tpu.memory_space<hbm>>
    %dma_start3A_46 = arith.constant 0 : i32
    %dma_start3A_47 = tpu.memref_slice %arg4[%add3A_43, %dma_start3A_46] : memref<16384x256xf32, #tpu.memory_space<hbm>> -> memref<128x256xf32, #tpu.memory_space<hbm>>
    tpu.enqueue_dma source(%arg7 : memref<128x256xf32, #tpu.memory_space<vmem>>) target(%dma_start3A_47 : memref<128x256xf32, #tpu.memory_space<hbm>>) target_semaphore(%arg11 : memref<!tpu.dma_semaphore, #tpu.memory_space<semaphore_mem>>)
    %dma_start3A_48 = arith.constant 256 : i32
    %dma_start3A_49 = tpu.memref_slice %arg6[%dma_start3A_48] : memref<512xi32, #tpu.memory_space<vmem>> -> memref<128xi32, #tpu.memory_space<vmem>>
    %dma_start3A_50 = arith.constant 0 : i32
    %dma_start3A_51 = arith.constant 0 : i32
    %dma_start3A_52 = tpu.memref_slice %arg2[%dma_start3A_50, %dma_start3A_51] : memref<100000x256xf32, #tpu.memory_space<hbm>> -> memref<100000x256xf32, #tpu.memory_space<hbm>>
    tpu.enqueue_indirect_dma source(%dma_start3A_52 : memref<100000x256xf32, #tpu.memory_space<hbm>>) target(%arg9 : memref<128x256xf32, #tpu.memory_space<vmem>>) offsets(%dma_start3A_49 : memref<128xi32, #tpu.memory_space<vmem>>) semaphore(%arg10 : memref<!tpu.dma_semaphore, #tpu.memory_space<semaphore_mem>>)
    %dma_wait3A_53 = arith.constant 128 : i32
    %dma_wait3A_54 = tpu.memref_slice %arg6[%dma_wait3A_53] : memref<512xi32, #tpu.memory_space<vmem>> -> memref<128xi32, #tpu.memory_space<vmem>>
    %dma_wait3A_55 = arith.constant 0 : i32
    %dma_wait3A_56 = arith.constant 0 : i32
    %dma_wait3A_57 = tpu.memref_slice %arg2[%dma_wait3A_55, %dma_wait3A_56] : memref<100000x256xf32, #tpu.memory_space<hbm>> -> memref<100000x256xf32, #tpu.memory_space<hbm>>
    tpu.wait_indirect_dma semaphore(%arg10 : memref<!tpu.dma_semaphore, #tpu.memory_space<semaphore_mem>>) src(%dma_wait3A_57 : memref<100000x256xf32, #tpu.memory_space<hbm>>) dst(%arg8 : memref<128x256xf32, #tpu.memory_space<vmem>>)
    %add3A_58 = arith.constant 128 : i32
    %add3A_59 = arith.addi %mul3A_2, %add3A_58 : i32
    %dma_start3A_60 = arith.constant 0 : i32
    %dma_start3A_61 = tpu.memref_slice %arg4[%add3A_59, %dma_start3A_60] : memref<16384x256xf32, #tpu.memory_space<hbm>> -> memref<128x256xf32, #tpu.memory_space<hbm>>
    %dma_start3A_62 = arith.constant 0 : i32
    %dma_start3A_63 = tpu.memref_slice %arg4[%add3A_59, %dma_start3A_62] : memref<16384x256xf32, #tpu.memory_space<hbm>> -> memref<128x256xf32, #tpu.memory_space<hbm>>
    tpu.enqueue_dma source(%arg8 : memref<128x256xf32, #tpu.memory_space<vmem>>) target(%dma_start3A_63 : memref<128x256xf32, #tpu.memory_space<hbm>>) target_semaphore(%arg11 : memref<!tpu.dma_semaphore, #tpu.memory_space<semaphore_mem>>)
    %dma_wait3A_64 = arith.constant 0 : i32
    %dma_wait3A_65 = tpu.memref_slice %arg4[%add3A_43, %dma_wait3A_64] : memref<16384x256xf32, #tpu.memory_space<hbm>> -> memref<128x256xf32, #tpu.memory_space<hbm>>
    %dma_wait3A_66 = arith.constant 0 : i32
    %dma_wait3A_67 = tpu.memref_slice %arg4[%add3A_43, %dma_wait3A_66] : memref<16384x256xf32, #tpu.memory_space<hbm>> -> memref<128x256xf32, #tpu.memory_space<hbm>>
    tpu.wait_dma2 semaphore(%arg11 : memref<!tpu.dma_semaphore, #tpu.memory_space<semaphore_mem>>) src(%arg7 : memref<128x256xf32, #tpu.memory_space<vmem>>) dst(%dma_wait3A_67 : memref<128x256xf32, #tpu.memory_space<hbm>>)
    %dma_start3A_68 = arith.constant 384 : i32
    %dma_start3A_69 = tpu.memref_slice %arg6[%dma_start3A_68] : memref<512xi32, #tpu.memory_space<vmem>> -> memref<128xi32, #tpu.memory_space<vmem>>
    %dma_start3A_70 = arith.constant 0 : i32
    %dma_start3A_71 = arith.constant 0 : i32
    %dma_start3A_72 = tpu.memref_slice %arg2[%dma_start3A_70, %dma_start3A_71] : memref<100000x256xf32, #tpu.memory_space<hbm>> -> memref<100000x256xf32, #tpu.memory_space<hbm>>
    tpu.enqueue_indirect_dma source(%dma_start3A_72 : memref<100000x256xf32, #tpu.memory_space<hbm>>) target(%arg7 : memref<128x256xf32, #tpu.memory_space<vmem>>) offsets(%dma_start3A_69 : memref<128xi32, #tpu.memory_space<vmem>>) semaphore(%arg10 : memref<!tpu.dma_semaphore, #tpu.memory_space<semaphore_mem>>)
    %dma_wait3A_73 = arith.constant 256 : i32
    %dma_wait3A_74 = tpu.memref_slice %arg6[%dma_wait3A_73] : memref<512xi32, #tpu.memory_space<vmem>> -> memref<128xi32, #tpu.memory_space<vmem>>
    %dma_wait3A_75 = arith.constant 0 : i32
    %dma_wait3A_76 = arith.constant 0 : i32
    %dma_wait3A_77 = tpu.memref_slice %arg2[%dma_wait3A_75, %dma_wait3A_76] : memref<100000x256xf32, #tpu.memory_space<hbm>> -> memref<100000x256xf32, #tpu.memory_space<hbm>>
    tpu.wait_indirect_dma semaphore(%arg10 : memref<!tpu.dma_semaphore, #tpu.memory_space<semaphore_mem>>) src(%dma_wait3A_77 : memref<100000x256xf32, #tpu.memory_space<hbm>>) dst(%arg9 : memref<128x256xf32, #tpu.memory_space<vmem>>)
    %add3A_78 = arith.constant 256 : i32
    %add3A_79 = arith.addi %mul3A_2, %add3A_78 : i32
    %dma_start3A_80 = arith.constant 0 : i32
    %dma_start3A_81 = tpu.memref_slice %arg4[%add3A_79, %dma_start3A_80] : memref<16384x256xf32, #tpu.memory_space<hbm>> -> memref<128x256xf32, #tpu.memory_space<hbm>>
    %dma_start3A_82 = arith.constant 0 : i32
    %dma_start3A_83 = tpu.memref_slice %arg4[%add3A_79, %dma_start3A_82] : memref<16384x256xf32, #tpu.memory_space<hbm>> -> memref<128x256xf32, #tpu.memory_space<hbm>>
    tpu.enqueue_dma source(%arg9 : memref<128x256xf32, #tpu.memory_space<vmem>>) target(%dma_start3A_83 : memref<128x256xf32, #tpu.memory_space<hbm>>) target_semaphore(%arg11 : memref<!tpu.dma_semaphore, #tpu.memory_space<semaphore_mem>>)
    %dma_wait3A_84 = arith.constant 384 : i32
    %dma_wait3A_85 = tpu.memref_slice %arg6[%dma_wait3A_84] : memref<512xi32, #tpu.memory_space<vmem>> -> memref<128xi32, #tpu.memory_space<vmem>>
    %dma_wait3A_86 = arith.constant 0 : i32
    %dma_wait3A_87 = arith.constant 0 : i32
    %dma_wait3A_88 = tpu.memref_slice %arg2[%dma_wait3A_86, %dma_wait3A_87] : memref<100000x256xf32, #tpu.memory_space<hbm>> -> memref<100000x256xf32, #tpu.memory_space<hbm>>
    tpu.wait_indirect_dma semaphore(%arg10 : memref<!tpu.dma_semaphore, #tpu.memory_space<semaphore_mem>>) src(%dma_wait3A_88 : memref<100000x256xf32, #tpu.memory_space<hbm>>) dst(%arg7 : memref<128x256xf32, #tpu.memory_space<vmem>>)
    %add3A_89 = arith.constant 384 : i32
    %add3A_90 = arith.addi %mul3A_2, %add3A_89 : i32
    %dma_start3A_91 = arith.constant 0 : i32
    %dma_start3A_92 = tpu.memref_slice %arg4[%add3A_90, %dma_start3A_91] : memref<16384x256xf32, #tpu.memory_space<hbm>> -> memref<128x256xf32, #tpu.memory_space<hbm>>
    %dma_start3A_93 = arith.constant 0 : i32
    %dma_start3A_94 = tpu.memref_slice %arg4[%add3A_90, %dma_start3A_93] : memref<16384x256xf32, #tpu.memory_space<hbm>> -> memref<128x256xf32, #tpu.memory_space<hbm>>
    tpu.enqueue_dma source(%arg7 : memref<128x256xf32, #tpu.memory_space<vmem>>) target(%dma_start3A_94 : memref<128x256xf32, #tpu.memory_space<hbm>>) target_semaphore(%arg11 : memref<!tpu.dma_semaphore, #tpu.memory_space<semaphore_mem>>)
    %dma_wait3A_95 = arith.constant 0 : i32
    %dma_wait3A_96 = tpu.memref_slice %arg4[%add3A_59, %dma_wait3A_95] : memref<16384x256xf32, #tpu.memory_space<hbm>> -> memref<128x256xf32, #tpu.memory_space<hbm>>
    %dma_wait3A_97 = arith.constant 0 : i32
    %dma_wait3A_98 = tpu.memref_slice %arg4[%add3A_59, %dma_wait3A_97] : memref<16384x256xf32, #tpu.memory_space<hbm>> -> memref<128x256xf32, #tpu.memory_space<hbm>>
    tpu.wait_dma2 semaphore(%arg11 : memref<!tpu.dma_semaphore, #tpu.memory_space<semaphore_mem>>) src(%arg8 : memref<128x256xf32, #tpu.memory_space<vmem>>) dst(%dma_wait3A_98 : memref<128x256xf32, #tpu.memory_space<hbm>>)
    %dma_wait3A_99 = arith.constant 0 : i32
    %dma_wait3A_100 = tpu.memref_slice %arg4[%add3A_79, %dma_wait3A_99] : memref<16384x256xf32, #tpu.memory_space<hbm>> -> memref<128x256xf32, #tpu.memory_space<hbm>>
    %dma_wait3A_101 = arith.constant 0 : i32
    %dma_wait3A_102 = tpu.memref_slice %arg4[%add3A_79, %dma_wait3A_101] : memref<16384x256xf32, #tpu.memory_space<hbm>> -> memref<128x256xf32, #tpu.memory_space<hbm>>
    tpu.wait_dma2 semaphore(%arg11 : memref<!tpu.dma_semaphore, #tpu.memory_space<semaphore_mem>>) src(%arg9 : memref<128x256xf32, #tpu.memory_space<vmem>>) dst(%dma_wait3A_102 : memref<128x256xf32, #tpu.memory_space<hbm>>)
    %dma_wait3A_103 = arith.constant 0 : i32
    %dma_wait3A_104 = tpu.memref_slice %arg4[%add3A_90, %dma_wait3A_103] : memref<16384x256xf32, #tpu.memory_space<hbm>> -> memref<128x256xf32, #tpu.memory_space<hbm>>
    %dma_wait3A_105 = arith.constant 0 : i32
    %dma_wait3A_106 = tpu.memref_slice %arg4[%add3A_90, %dma_wait3A_105] : memref<16384x256xf32, #tpu.memory_space<hbm>> -> memref<128x256xf32, #tpu.memory_space<hbm>>
    tpu.wait_dma2 semaphore(%arg11 : memref<!tpu.dma_semaphore, #tpu.memory_space<semaphore_mem>>) src(%arg7 : memref<128x256xf32, #tpu.memory_space<vmem>>) dst(%dma_wait3A_106 : memref<128x256xf32, #tpu.memory_space<hbm>>)
    return
  }
}

#map = affine_map<(d0, d1) -> (0, 0)>
module attributes {stable_mosaic.version = 14 : i64} {
  func.func @gather_k(%arg0: i32, %arg1: i32, %arg2: memref<100000x256xf32, #tpu.memory_space<hbm>>, %arg3: memref<34x16384xf32, #tpu.memory_space<hbm>>, %arg4: memref<16384x256xf32, #tpu.memory_space<hbm>>, %arg5: memref<512xf32, #tpu.memory_space<vmem>>, %arg6: memref<512xi32, #tpu.memory_space<vmem>>, %arg7: memref<128x256xf32, #tpu.memory_space<vmem>>, %arg8: memref<128x256xf32, #tpu.memory_space<vmem>>, %arg9: memref<128x256xf32, #tpu.memory_space<vmem>>, %arg10: memref<!tpu.dma_semaphore, #tpu.memory_space<semaphore_mem>>, %arg11: memref<!tpu.dma_semaphore, #tpu.memory_space<semaphore_mem>>) attributes {dimension_semantics = [#tpu.dimension_semantics<core_parallel>, #tpu.dimension_semantics<subcore_parallel>], iteration_bounds = array<i64: 2, 16>, scalar_prefetch = 0 : i64, scratch_operands = 7 : i64, tpu.core_type = #tpu.core_type<sc_vector_subcore>, window_params = [{transform_indices = #map}, {transform_indices = #map}, {transform_indices = #map}]} {
    %mul3A = arith.constant 2 : i32
    %mul3A_0 = arith.muli %arg1, %mul3A : i32
    %add3A = arith.addi %mul3A_0, %arg0 : i32
    %mul3A_1 = arith.constant 512 : i32
    %mul3A_2 = arith.muli %add3A, %mul3A_1 : i32
    %jit3A = arith.constant 8192 : i32
    %div3A = arith.divsi %mul3A_2, %jit3A : i32
    %sign3A = arith.constant 0 : i32
    %sign3A_3 = arith.cmpi sgt, %mul3A_2, %sign3A : i32
    %sign3A_4 = arith.extui %sign3A_3 : i1 to i32
    %sign3A_5 = arith.constant 0 : i32
    %sign3A_6 = arith.cmpi slt, %mul3A_2, %sign3A_5 : i32
    %sign3A_7 = arith.extui %sign3A_6 : i1 to i32
    %sign3A_8 = arith.subi %sign3A_4, %sign3A_7 : i32
    %sign3A_9 = arith.constant 0 : i32
    %sign3A_10 = arith.cmpi sgt, %jit3A, %sign3A_9 : i32
    %sign3A_11 = arith.extui %sign3A_10 : i1 to i32
    %sign3A_12 = arith.constant 0 : i32
    %sign3A_13 = arith.cmpi slt, %jit3A, %sign3A_12 : i32
    %sign3A_14 = arith.extui %sign3A_13 : i1 to i32
    %sign3A_15 = arith.subi %sign3A_11, %sign3A_14 : i32
    %ne3A = arith.cmpi ne, %sign3A_8, %sign3A_15 : i32
    %rem3A = arith.remsi %mul3A_2, %jit3A : i32
    %ne3A_16 = arith.constant 0 : i32
    %ne3A_17 = arith.cmpi ne, %rem3A, %ne3A_16 : i32
    %and3A = arith.andi %ne3A, %ne3A_17 : i1
    %sub3A = arith.constant 1 : i32
    %sub3A_18 = arith.subi %div3A, %sub3A : i32
    %select_n3A = arith.select %and3A, %sub3A_18, %div3A : i32
    %add3A_19 = arith.constant 0 : i32
    %add3A_20 = arith.addi %add3A_19, %mul3A_2 : i32
    %mul3A_21 = arith.constant 8192 : i32
    %mul3A_22 = arith.muli %select_n3A, %mul3A_21 : i32
    %sub3A_23 = arith.subi %add3A_20, %mul3A_22 : i32
    "tpu.region"() ({
      %run_scoped3A = tpu.sem_alloc : memref<!tpu.dma_semaphore, #tpu.memory_space<semaphore_mem>>
      %dma_start3A_107 = tpu.memref_slice %arg3[%select_n3A, %sub3A_23] : memref<34x16384xf32, #tpu.memory_space<hbm>> -> memref<1x512xf32, #tpu.memory_space<hbm>>
      %dma_start3A_108 = tpu.memref_squeeze %dma_start3A_107 : memref<1x512xf32, #tpu.memory_space<hbm>> -> memref<512xf32, #tpu.memory_space<hbm>>
      %dma_start3A_109 = tpu.memref_slice %arg3[%select_n3A, %sub3A_23] : memref<34x16384xf32, #tpu.memory_space<hbm>> -> memref<1x512xf32, #tpu.memory_space<hbm>>
      %dma_start3A_110 = tpu.memref_squeeze %dma_start3A_109 : memref<1x512xf32, #tpu.memory_space<hbm>> -> memref<512xf32, #tpu.memory_space<hbm>>
      tpu.enqueue_dma source(%dma_start3A_110 : memref<512xf32, #tpu.memory_space<hbm>>) target(%arg5 : memref<512xf32, #tpu.memory_space<vmem>>) target_semaphore(%run_scoped3A : memref<!tpu.dma_semaphore, #tpu.memory_space<semaphore_mem>>)
      %dma_wait3A_111 = tpu.memref_slice %arg3[%select_n3A, %sub3A_23] : memref<34x16384xf32, #tpu.memory_space<hbm>> -> memref<1x512xf32, #tpu.memory_space<hbm>>
      %dma_wait3A_112 = tpu.memref_squeeze %dma_wait3A_111 : memref<1x512xf32, #tpu.memory_space<hbm>> -> memref<512xf32, #tpu.memory_space<hbm>>
      %dma_wait3A_113 = tpu.memref_slice %arg3[%select_n3A, %sub3A_23] : memref<34x16384xf32, #tpu.memory_space<hbm>> -> memref<1x512xf32, #tpu.memory_space<hbm>>
      %dma_wait3A_114 = tpu.memref_squeeze %dma_wait3A_113 : memref<1x512xf32, #tpu.memory_space<hbm>> -> memref<512xf32, #tpu.memory_space<hbm>>
      tpu.wait_dma2 semaphore(%run_scoped3A : memref<!tpu.dma_semaphore, #tpu.memory_space<semaphore_mem>>) src(%dma_wait3A_114 : memref<512xf32, #tpu.memory_space<hbm>>) dst(%arg5 : memref<512xf32, #tpu.memory_space<vmem>>)
      tpu.yield
    }) : () -> ()
    %scan3A = arith.constant 0 : i32
    %scan3A_24 = arith.constant 0 : i32
    %scan3A_25 = arith.constant 32 : i32
    %scan3A_26 = arith.addi %scan3A_24, %scan3A_25 : i32
    %scan3A_27 = arith.constant 1 : i32
    scf.for %scan3A_107 = %scan3A_24 to %scan3A_26 step %scan3A_27  : i32 {
      %mul3A_108 = arith.constant 16 : i32
      %mul3A_109 = arith.muli %scan3A_107, %mul3A_108 : i32
      %get3A = arith.index_cast %mul3A_109 : i32 to index
      %get3A_110 = tpu.vector_load %arg5[%get3A] {strides = array<i32>} : memref<512xf32, #tpu.memory_space<vmem>>, vector<16xf32>,
      %get3A_111 = vector.shape_cast %get3A_110 : vector<16xf32> to vector<16xf32>
      %convert_element_type3A = arith.fptosi %get3A_111 : vector<16xf32> to vector<16xi32>
      %mul3A_112 = arith.constant 16 : i32
      %mul3A_113 = arith.muli %scan3A_107, %mul3A_112 : i32
      %swap3A = arith.index_cast %mul3A_113 : i32 to index
      %swap3A_114 = tpu.vector_load %arg6[%swap3A] {strides = array<i32>} : memref<512xi32, #tpu.memory_space<vmem>>, vector<16xi32>,
      %swap3A_115 = vector.shape_cast %swap3A_114 : vector<16xi32> to vector<16xi32>
      %swap3A_116 = vector.shape_cast %convert_element_type3A : vector<16xi32> to vector<16xi32>
      tpu.vector_store %arg6[%swap3A], %swap3A_116 {strides = array<i32>} : memref<512xi32, #tpu.memory_space<vmem>>, vector<16xi32>,
    }
    %scan3A_28 = arith.constant 32 : i32
    %dma_start3A = arith.constant 0 : i32
    %dma_start3A_29 = tpu.memref_slice %arg6[%dma_start3A] : memref<512xi32, #tpu.memory_space<vmem>> -> memref<128xi32, #tpu.memory_space<vmem>>
    %dma_start3A_30 = arith.constant 0 : i32
    %dma_start3A_31 = arith.constant 0 : i32
    %dma_start3A_32 = tpu.memref_slice %arg2[%dma_start3A_30, %dma_start3A_31] : memref<100000x256xf32, #tpu.memory_space<hbm>> -> memref<100000x256xf32, #tpu.memory_space<hbm>>
    tpu.enqueue_indirect_dma source(%dma_start3A_32 : memref<100000x256xf32, #tpu.memory_space<hbm>>) target(%arg7 : memref<128x256xf32, #tpu.memory_space<vmem>>) offsets(%dma_start3A_29 : memref<128xi32, #tpu.memory_space<vmem>>) semaphore(%arg10 : memref<!tpu.dma_semaphore, #tpu.memory_space<semaphore_mem>>)
    %dma_start3A_33 = arith.constant 128 : i32
    %dma_start3A_34 = tpu.memref_slice %arg6[%dma_start3A_33] : memref<512xi32, #tpu.memory_space<vmem>> -> memref<128xi32, #tpu.memory_space<vmem>>
    %dma_start3A_35 = arith.constant 0 : i32
    %dma_start3A_36 = arith.constant 0 : i32
    %dma_start3A_37 = tpu.memref_slice %arg2[%dma_start3A_35, %dma_start3A_36] : memref<100000x256xf32, #tpu.memory_space<hbm>> -> memref<100000x256xf32, #tpu.memory_space<hbm>>
    tpu.enqueue_indirect_dma source(%dma_start3A_37 : memref<100000x256xf32, #tpu.memory_space<hbm>>) target(%arg8 : memref<128x256xf32, #tpu.memory_space<vmem>>) offsets(%dma_start3A_34 : memref<128xi32, #tpu.memory_space<vmem>>) semaphore(%arg10 : memref<!tpu.dma_semaphore, #tpu.memory_space<semaphore_mem>>)
    %dma_wait3A = arith.constant 0 : i32
    %dma_wait3A_38 = tpu.memref_slice %arg6[%dma_wait3A] : memref<512xi32, #tpu.memory_space<vmem>> -> memref<128xi32, #tpu.memory_space<vmem>>
    %dma_wait3A_39 = arith.constant 0 : i32
    %dma_wait3A_40 = arith.constant 0 : i32
    %dma_wait3A_41 = tpu.memref_slice %arg2[%dma_wait3A_39, %dma_wait3A_40] : memref<100000x256xf32, #tpu.memory_space<hbm>> -> memref<100000x256xf32, #tpu.memory_space<hbm>>
    tpu.wait_indirect_dma semaphore(%arg10 : memref<!tpu.dma_semaphore, #tpu.memory_space<semaphore_mem>>) src(%dma_wait3A_41 : memref<100000x256xf32, #tpu.memory_space<hbm>>) dst(%arg7 : memref<128x256xf32, #tpu.memory_space<vmem>>)
    %add3A_42 = arith.constant 0 : i32
    %add3A_43 = arith.addi %mul3A_2, %add3A_42 : i32
    %dma_start3A_44 = arith.constant 0 : i32
    %dma_start3A_45 = tpu.memref_slice %arg4[%add3A_43, %dma_start3A_44] : memref<16384x256xf32, #tpu.memory_space<hbm>> -> memref<128x256xf32, #tpu.memory_space<hbm>>
    %dma_start3A_46 = arith.constant 0 : i32
    %dma_start3A_47 = tpu.memref_slice %arg4[%add3A_43, %dma_start3A_46] : memref<16384x256xf32, #tpu.memory_space<hbm>> -> memref<128x256xf32, #tpu.memory_space<hbm>>
    tpu.enqueue_dma source(%arg7 : memref<128x256xf32, #tpu.memory_space<vmem>>) target(%dma_start3A_47 : memref<128x256xf32, #tpu.memory_space<hbm>>) target_semaphore(%arg11 : memref<!tpu.dma_semaphore, #tpu.memory_space<semaphore_mem>>)
    %dma_start3A_48 = arith.constant 256 : i32
    %dma_start3A_49 = tpu.memref_slice %arg6[%dma_start3A_48] : memref<512xi32, #tpu.memory_space<vmem>> -> memref<128xi32, #tpu.memory_space<vmem>>
    %dma_start3A_50 = arith.constant 0 : i32
    %dma_start3A_51 = arith.constant 0 : i32
    %dma_start3A_52 = tpu.memref_slice %arg2[%dma_start3A_50, %dma_start3A_51] : memref<100000x256xf32, #tpu.memory_space<hbm>> -> memref<100000x256xf32, #tpu.memory_space<hbm>>
    tpu.enqueue_indirect_dma source(%dma_start3A_52 : memref<100000x256xf32, #tpu.memory_space<hbm>>) target(%arg9 : memref<128x256xf32, #tpu.memory_space<vmem>>) offsets(%dma_start3A_49 : memref<128xi32, #tpu.memory_space<vmem>>) semaphore(%arg10 : memref<!tpu.dma_semaphore, #tpu.memory_space<semaphore_mem>>)
    %dma_wait3A_53 = arith.constant 128 : i32
    %dma_wait3A_54 = tpu.memref_slice %arg6[%dma_wait3A_53] : memref<512xi32, #tpu.memory_space<vmem>> -> memref<128xi32, #tpu.memory_space<vmem>>
    %dma_wait3A_55 = arith.constant 0 : i32
    %dma_wait3A_56 = arith.constant 0 : i32
    %dma_wait3A_57 = tpu.memref_slice %arg2[%dma_wait3A_55, %dma_wait3A_56] : memref<100000x256xf32, #tpu.memory_space<hbm>> -> memref<100000x256xf32, #tpu.memory_space<hbm>>
    tpu.wait_indirect_dma semaphore(%arg10 : memref<!tpu.dma_semaphore, #tpu.memory_space<semaphore_mem>>) src(%dma_wait3A_57 : memref<100000x256xf32, #tpu.memory_space<hbm>>) dst(%arg8 : memref<128x256xf32, #tpu.memory_space<vmem>>)
    %add3A_58 = arith.constant 128 : i32
    %add3A_59 = arith.addi %mul3A_2, %add3A_58 : i32
    %dma_start3A_60 = arith.constant 0 : i32
    %dma_start3A_61 = tpu.memref_slice %arg4[%add3A_59, %dma_start3A_60] : memref<16384x256xf32, #tpu.memory_space<hbm>> -> memref<128x256xf32, #tpu.memory_space<hbm>>
    %dma_start3A_62 = arith.constant 0 : i32
    %dma_start3A_63 = tpu.memref_slice %arg4[%add3A_59, %dma_start3A_62] : memref<16384x256xf32, #tpu.memory_space<hbm>> -> memref<128x256xf32, #tpu.memory_space<hbm>>
    tpu.enqueue_dma source(%arg8 : memref<128x256xf32, #tpu.memory_space<vmem>>) target(%dma_start3A_63 : memref<128x256xf32, #tpu.memory_space<hbm>>) target_semaphore(%arg11 : memref<!tpu.dma_semaphore, #tpu.memory_space<semaphore_mem>>)
    %dma_wait3A_64 = arith.constant 0 : i32
    %dma_wait3A_65 = tpu.memref_slice %arg4[%add3A_43, %dma_wait3A_64] : memref<16384x256xf32, #tpu.memory_space<hbm>> -> memref<128x256xf32, #tpu.memory_space<hbm>>
    %dma_wait3A_66 = arith.constant 0 : i32
    %dma_wait3A_67 = tpu.memref_slice %arg4[%add3A_43, %dma_wait3A_66] : memref<16384x256xf32, #tpu.memory_space<hbm>> -> memref<128x256xf32, #tpu.memory_space<hbm>>
    tpu.wait_dma2 semaphore(%arg11 : memref<!tpu.dma_semaphore, #tpu.memory_space<semaphore_mem>>) src(%arg7 : memref<128x256xf32, #tpu.memory_space<vmem>>) dst(%dma_wait3A_67 : memref<128x256xf32, #tpu.memory_space<hbm>>)
    %dma_start3A_68 = arith.constant 384 : i32
    %dma_start3A_69 = tpu.memref_slice %arg6[%dma_start3A_68] : memref<512xi32, #tpu.memory_space<vmem>> -> memref<128xi32, #tpu.memory_space<vmem>>
    %dma_start3A_70 = arith.constant 0 : i32
    %dma_start3A_71 = arith.constant 0 : i32
    %dma_start3A_72 = tpu.memref_slice %arg2[%dma_start3A_70, %dma_start3A_71] : memref<100000x256xf32, #tpu.memory_space<hbm>> -> memref<100000x256xf32, #tpu.memory_space<hbm>>
    tpu.enqueue_indirect_dma source(%dma_start3A_72 : memref<100000x256xf32, #tpu.memory_space<hbm>>) target(%arg7 : memref<128x256xf32, #tpu.memory_space<vmem>>) offsets(%dma_start3A_69 : memref<128xi32, #tpu.memory_space<vmem>>) semaphore(%arg10 : memref<!tpu.dma_semaphore, #tpu.memory_space<semaphore_mem>>)
    %dma_wait3A_73 = arith.constant 256 : i32
    %dma_wait3A_74 = tpu.memref_slice %arg6[%dma_wait3A_73] : memref<512xi32, #tpu.memory_space<vmem>> -> memref<128xi32, #tpu.memory_space<vmem>>
    %dma_wait3A_75 = arith.constant 0 : i32
    %dma_wait3A_76 = arith.constant 0 : i32
    %dma_wait3A_77 = tpu.memref_slice %arg2[%dma_wait3A_75, %dma_wait3A_76] : memref<100000x256xf32, #tpu.memory_space<hbm>> -> memref<100000x256xf32, #tpu.memory_space<hbm>>
    tpu.wait_indirect_dma semaphore(%arg10 : memref<!tpu.dma_semaphore, #tpu.memory_space<semaphore_mem>>) src(%dma_wait3A_77 : memref<100000x256xf32, #tpu.memory_space<hbm>>) dst(%arg9 : memref<128x256xf32, #tpu.memory_space<vmem>>)
    %add3A_78 = arith.constant 256 : i32
    %add3A_79 = arith.addi %mul3A_2, %add3A_78 : i32
    %dma_start3A_80 = arith.constant 0 : i32
    %dma_start3A_81 = tpu.memref_slice %arg4[%add3A_79, %dma_start3A_80] : memref<16384x256xf32, #tpu.memory_space<hbm>> -> memref<128x256xf32, #tpu.memory_space<hbm>>
    %dma_start3A_82 = arith.constant 0 : i32
    %dma_start3A_83 = tpu.memref_slice %arg4[%add3A_79, %dma_start3A_82] : memref<16384x256xf32, #tpu.memory_space<hbm>> -> memref<128x256xf32, #tpu.memory_space<hbm>>
    tpu.enqueue_dma source(%arg9 : memref<128x256xf32, #tpu.memory_space<vmem>>) target(%dma_start3A_83 : memref<128x256xf32, #tpu.memory_space<hbm>>) target_semaphore(%arg11 : memref<!tpu.dma_semaphore, #tpu.memory_space<semaphore_mem>>)
    %dma_wait3A_84 = arith.constant 384 : i32
    %dma_wait3A_85 = tpu.memref_slice %arg6[%dma_wait3A_84] : memref<512xi32, #tpu.memory_space<vmem>> -> memref<128xi32, #tpu.memory_space<vmem>>
    %dma_wait3A_86 = arith.constant 0 : i32
    %dma_wait3A_87 = arith.constant 0 : i32
    %dma_wait3A_88 = tpu.memref_slice %arg2[%dma_wait3A_86, %dma_wait3A_87] : memref<100000x256xf32, #tpu.memory_space<hbm>> -> memref<100000x256xf32, #tpu.memory_space<hbm>>
    tpu.wait_indirect_dma semaphore(%arg10 : memref<!tpu.dma_semaphore, #tpu.memory_space<semaphore_mem>>) src(%dma_wait3A_88 : memref<100000x256xf32, #tpu.memory_space<hbm>>) dst(%arg7 : memref<128x256xf32, #tpu.memory_space<vmem>>)
    %add3A_89 = arith.constant 384 : i32
    %add3A_90 = arith.addi %mul3A_2, %add3A_89 : i32
    %dma_start3A_91 = arith.constant 0 : i32
    %dma_start3A_92 = tpu.memref_slice %arg4[%add3A_90, %dma_start3A_91] : memref<16384x256xf32, #tpu.memory_space<hbm>> -> memref<128x256xf32, #tpu.memory_space<hbm>>
    %dma_start3A_93 = arith.constant 0 : i32
    %dma_start3A_94 = tpu.memref_slice %arg4[%add3A_90, %dma_start3A_93] : memref<16384x256xf32, #tpu.memory_space<hbm>> -> memref<128x256xf32, #tpu.memory_space<hbm>>
    tpu.enqueue_dma source(%arg7 : memref<128x256xf32, #tpu.memory_space<vmem>>) target(%dma_start3A_94 : memref<128x256xf32, #tpu.memory_space<hbm>>) target_semaphore(%arg11 : memref<!tpu.dma_semaphore, #tpu.memory_space<semaphore_mem>>)
    %dma_wait3A_95 = arith.constant 0 : i32
    %dma_wait3A_96 = tpu.memref_slice %arg4[%add3A_59, %dma_wait3A_95] : memref<16384x256xf32, #tpu.memory_space<hbm>> -> memref<128x256xf32, #tpu.memory_space<hbm>>
    %dma_wait3A_97 = arith.constant 0 : i32
    %dma_wait3A_98 = tpu.memref_slice %arg4[%add3A_59, %dma_wait3A_97] : memref<16384x256xf32, #tpu.memory_space<hbm>> -> memref<128x256xf32, #tpu.memory_space<hbm>>
    tpu.wait_dma2 semaphore(%arg11 : memref<!tpu.dma_semaphore, #tpu.memory_space<semaphore_mem>>) src(%arg8 : memref<128x256xf32, #tpu.memory_space<vmem>>) dst(%dma_wait3A_98 : memref<128x256xf32, #tpu.memory_space<hbm>>)
    %dma_wait3A_99 = arith.constant 0 : i32
    %dma_wait3A_100 = tpu.memref_slice %arg4[%add3A_79, %dma_wait3A_99] : memref<16384x256xf32, #tpu.memory_space<hbm>> -> memref<128x256xf32, #tpu.memory_space<hbm>>
    %dma_wait3A_101 = arith.constant 0 : i32
    %dma_wait3A_102 = tpu.memref_slice %arg4[%add3A_79, %dma_wait3A_101] : memref<16384x256xf32, #tpu.memory_space<hbm>> -> memref<128x256xf32, #tpu.memory_space<hbm>>
    tpu.wait_dma2 semaphore(%arg11 : memref<!tpu.dma_semaphore, #tpu.memory_space<semaphore_mem>>) src(%arg9 : memref<128x256xf32, #tpu.memory_space<vmem>>) dst(%dma_wait3A_102 : memref<128x256xf32, #tpu.memory_space<hbm>>)
    %dma_wait3A_103 = arith.constant 0 : i32
    %dma_wait3A_104 = tpu.memref_slice %arg4[%add3A_90, %dma_wait3A_103] : memref<16384x256xf32, #tpu.memory_space<hbm>> -> memref<128x256xf32, #tpu.memory_space<hbm>>
    %dma_wait3A_105 = arith.constant 0 : i32
    %dma_wait3A_106 = tpu.memref_slice %arg4[%add3A_90, %dma_wait3A_105] : memref<16384x256xf32, #tpu.memory_space<hbm>> -> memref<128x256xf32, #tpu.memory_space<hbm>>
    tpu.wait_dma2 semaphore(%arg11 : memref<!tpu.dma_semaphore, #tpu.memory_space<semaphore_mem>>) src(%arg7 : memref<128x256xf32, #tpu.memory_space<vmem>>) dst(%dma_wait3A_106 : memref<128x256xf32, #tpu.memory_space<hbm>>)
    return
  }
}

module attributes {stable_mosaic.version = 14 : i64} {
  func.func @body(%arg0: i32, %arg1: memref<4096x256xf32, #tpu.memory_space<vmem>>, %arg2: memref<4096x256xf32, #tpu.memory_space<vmem>>, %arg3: memref<32x4096xf32, #tpu.memory_space<vmem>>, %arg4: memref<64x544xf32, #tpu.memory_space<vmem>>, %arg5: memref<1x64xf32, #tpu.memory_space<vmem>>, %arg6: memref<64x64xf32, #tpu.memory_space<vmem>>, %arg7: memref<1x64xf32, #tpu.memory_space<vmem>>, %arg8: memref<64x64xf32, #tpu.memory_space<vmem>>, %arg9: memref<1x64xf32, #tpu.memory_space<vmem>>, %arg10: memref<64x4096xf32, #tpu.memory_space<vmem>>) attributes {dimension_semantics = [#tpu.dimension_semantics<arbitrary>], iteration_bounds = array<i64: 2>, scalar_prefetch = 0 : i64, scratch_operands = 0 : i64, tpu.core_type = #tpu.core_type<tc>, window_params = [{transform_indices = @transform_0, window_bounds = array<i64: 4096, 256>}, {transform_indices = @transform_1, window_bounds = array<i64: 4096, 256>}, {transform_indices = @transform_2, window_bounds = array<i64: 32, 4096>}, {pipeline_mode = #tpu.pipeline_mode<synchronous>, transform_indices = @transform_3, window_bounds = array<i64: 64, 544>}, {pipeline_mode = #tpu.pipeline_mode<synchronous>, transform_indices = @transform_4, window_bounds = array<i64: 1, 64>}, {pipeline_mode = #tpu.pipeline_mode<synchronous>, transform_indices = @transform_5, window_bounds = array<i64: 64, 64>}, {pipeline_mode = #tpu.pipeline_mode<synchronous>, transform_indices = @transform_6, window_bounds = array<i64: 1, 64>}, {pipeline_mode = #tpu.pipeline_mode<synchronous>, transform_indices = @transform_7, window_bounds = array<i64: 64, 64>}, {pipeline_mode = #tpu.pipeline_mode<synchronous>, transform_indices = @transform_8, window_bounds = array<i64: 1, 64>}, {transform_indices = @transform_9, window_bounds = array<i64: 64, 4096>}]} {
    %get3A = arith.constant 0 : index
    %get3A_0 = arith.constant 0 : index
    %get3A_1 = vector.load %arg4[%get3A, %get3A_0] : memref<64x544xf32, #tpu.memory_space<vmem>>, vector<64x544xf32>
    %slice3A = vector.extract_strided_slice %get3A_1 {offsets = [0, 0], sizes = [64, 256], strides = [1, 1]} : vector<64x544xf32> to vector<64x256xf32>
    %slice3A_2 = vector.extract_strided_slice %get3A_1 {offsets = [0, 256], sizes = [64, 256], strides = [1, 1]} : vector<64x544xf32> to vector<64x256xf32>
    %slice3A_3 = vector.extract_strided_slice %get3A_1 {offsets = [0, 512], sizes = [64, 32], strides = [1, 1]} : vector<64x544xf32> to vector<64x32xf32>
    %get3A_4 = arith.constant 0 : index
    %get3A_5 = arith.constant 0 : index
    %get3A_6 = vector.load %arg1[%get3A_4, %get3A_5] : memref<4096x256xf32, #tpu.memory_space<vmem>>, vector<4096x256xf32>
    %dot_general3A = arith.constant dense<0.000000e+00> : vector<4096x64xf32>
    %dot_general3A_7 = tpu.matmul %get3A_6, %slice3A, %dot_general3A {dimension_numbers = #tpu.dot_dimension_numbers<[1], [1], [0], [0], [0, 0, 1, 0], [], []>, transpose_lhs_hint = false} : vector<4096x256xf32>, vector<64x256xf32>, vector<4096x64xf32> -> vector<4096x64xf32>
    %get3A_8 = arith.constant 0 : index
    %get3A_9 = arith.constant 0 : index
    %get3A_10 = vector.load %arg2[%get3A_8, %get3A_9] : memref<4096x256xf32, #tpu.memory_space<vmem>>, vector<4096x256xf32>
    %dot_general3A_11 = arith.constant dense<0.000000e+00> : vector<4096x64xf32>
    %dot_general3A_12 = tpu.matmul %get3A_10, %slice3A_2, %dot_general3A_11 {dimension_numbers = #tpu.dot_dimension_numbers<[1], [1], [0], [0], [0, 0, 1, 0], [], []>, transpose_lhs_hint = false} : vector<4096x256xf32>, vector<64x256xf32>, vector<4096x64xf32> -> vector<4096x64xf32>
    %add3A = arith.addf %dot_general3A_7, %dot_general3A_12 : vector<4096x64xf32>
    %get3A_13 = arith.constant 0 : index
    %get3A_14 = arith.constant 0 : index
    %get3A_15 = vector.load %arg5[%get3A_13, %get3A_14] : memref<1x64xf32, #tpu.memory_space<vmem>>, vector<1x64xf32>
    %add3A_16 = vector.broadcast %get3A_15 : vector<1x64xf32> to vector<4096x64xf32>
    %add3A_17 = arith.addf %add3A, %add3A_16 : vector<4096x64xf32>
    %transpose3A = tpu.transpose %add3A_17, [1, 0] : vector<4096x64xf32> -> vector<64x4096xf32>
    %get3A_18 = arith.constant 0 : index
    %get3A_19 = arith.constant 0 : index
    %get3A_20 = vector.load %arg3[%get3A_18, %get3A_19] : memref<32x4096xf32, #tpu.memory_space<vmem>>, vector<32x4096xf32>
    %dot_general3A_21 = arith.constant dense<0.000000e+00> : vector<64x4096xf32>
    %dot_general3A_22 = tpu.matmul %slice3A_3, %get3A_20, %dot_general3A_21 {dimension_numbers = #tpu.dot_dimension_numbers<[1], [0], [0], [1], [0, 0, 1, 1], [], []>, transpose_lhs_hint = false} : vector<64x32xf32>, vector<32x4096xf32>, vector<64x4096xf32> -> vector<64x4096xf32>
    %add3A_23 = arith.addf %transpose3A, %dot_general3A_22 : vector<64x4096xf32>
    %max3A = arith.constant 0.000000e+00 : f32
    %max3A_24 = vector.broadcast %max3A : f32 to vector<64x4096xf32>
    %max3A_25 = arith.maximumf %add3A_23, %max3A_24 : vector<64x4096xf32>
    %get3A_26 = arith.constant 0 : index
    %get3A_27 = arith.constant 0 : index
    %get3A_28 = vector.load %arg6[%get3A_26, %get3A_27] : memref<64x64xf32, #tpu.memory_space<vmem>>, vector<64x64xf32>
    %dot_general3A_29 = arith.constant dense<0.000000e+00> : vector<64x4096xf32>
    %dot_general3A_30 = tpu.matmul %get3A_28, %max3A_25, %dot_general3A_29 {dimension_numbers = #tpu.dot_dimension_numbers<[0], [0], [1], [1], [0, 1, 1, 1], [], []>, transpose_lhs_hint = false} : vector<64x64xf32>, vector<64x4096xf32>, vector<64x4096xf32> -> vector<64x4096xf32>
    %get3A_31 = arith.constant 0 : index
    %get3A_32 = arith.constant 0 : index
    %get3A_33 = vector.load %arg7[%get3A_31, %get3A_32] : memref<1x64xf32, #tpu.memory_space<vmem>>, vector<1x64xf32>
    %transpose3A_34 = tpu.transpose %get3A_33, [1, 0] : vector<1x64xf32> -> vector<64x1xf32>
    %add3A_35 = vector.broadcast %transpose3A_34 : vector<64x1xf32> to vector<64x4096xf32>
    %add3A_36 = arith.addf %dot_general3A_30, %add3A_35 : vector<64x4096xf32>
    %max3A_37 = arith.constant 0.000000e+00 : f32
    %max3A_38 = vector.broadcast %max3A_37 : f32 to vector<64x4096xf32>
    %max3A_39 = arith.maximumf %add3A_36, %max3A_38 : vector<64x4096xf32>
    %get3A_40 = arith.constant 0 : index
    %get3A_41 = arith.constant 0 : index
    %get3A_42 = vector.load %arg8[%get3A_40, %get3A_41] : memref<64x64xf32, #tpu.memory_space<vmem>>, vector<64x64xf32>
    %dot_general3A_43 = arith.constant dense<0.000000e+00> : vector<64x4096xf32>
    %dot_general3A_44 = tpu.matmul %get3A_42, %max3A_39, %dot_general3A_43 {dimension_numbers = #tpu.dot_dimension_numbers<[0], [0], [1], [1], [0, 1, 1, 1], [], []>, transpose_lhs_hint = false} : vector<64x64xf32>, vector<64x4096xf32>, vector<64x4096xf32> -> vector<64x4096xf32>
    %get3A_45 = arith.constant 0 : index
    %get3A_46 = arith.constant 0 : index
    %get3A_47 = vector.load %arg9[%get3A_45, %get3A_46] : memref<1x64xf32, #tpu.memory_space<vmem>>, vector<1x64xf32>
    %transpose3A_48 = tpu.transpose %get3A_47, [1, 0] : vector<1x64xf32> -> vector<64x1xf32>
    %add3A_49 = vector.broadcast %transpose3A_48 : vector<64x1xf32> to vector<64x4096xf32>
    %add3A_50 = arith.addf %dot_general3A_44, %add3A_49 : vector<64x4096xf32>
    %swap3A = arith.constant 0 : index
    %swap3A_51 = arith.constant 0 : index
    %swap3A_52 = vector.load %arg10[%swap3A, %swap3A_51] : memref<64x4096xf32, #tpu.memory_space<vmem>>, vector<64x4096xf32>
    tpu.vector_store %arg10[%swap3A, %swap3A_51], %add3A_50 {strides = array<i32>} : memref<64x4096xf32, #tpu.memory_space<vmem>>, vector<64x4096xf32>,
    return
  }
  func.func @transform_0(%arg0: i32) -> (i32, i32) {
    %c0_i32 = arith.constant 0 : i32
    %c0_i32_0 = arith.constant 0 : i32
    return %arg0, %c0_i32 : i32, i32
  }
  func.func @transform_1(%arg0: i32) -> (i32, i32) {
    %add3A = arith.constant 2 : i32
    %add3A_0 = arith.addi %arg0, %add3A : i32
    %c0_i32 = arith.constant 0 : i32
    %c0_i32_1 = arith.constant 0 : i32
    return %add3A_0, %c0_i32 : i32, i32
  }
  func.func @transform_2(%arg0: i32) -> (i32, i32) {
    %add3A = arith.constant 0 : i32
    %add3A_0 = arith.addi %arg0, %add3A : i32
    %c0_i32 = arith.constant 0 : i32
    %c0_i32_1 = arith.constant 0 : i32
    return %c0_i32, %add3A_0 : i32, i32
  }
  func.func @transform_3(%arg0: i32) -> (i32, i32) {
    %c0_i32 = arith.constant 0 : i32
    %c0_i32_0 = arith.constant 0 : i32
    %c0_i32_1 = arith.constant 0 : i32
    return %c0_i32, %c0_i32_0 : i32, i32
  }
  func.func @transform_4(%arg0: i32) -> (i32, i32) {
    %c0_i32 = arith.constant 0 : i32
    %c0_i32_0 = arith.constant 0 : i32
    %c0_i32_1 = arith.constant 0 : i32
    return %c0_i32, %c0_i32_0 : i32, i32
  }
  func.func @transform_5(%arg0: i32) -> (i32, i32) {
    %c0_i32 = arith.constant 0 : i32
    %c0_i32_0 = arith.constant 0 : i32
    %c0_i32_1 = arith.constant 0 : i32
    return %c0_i32, %c0_i32_0 : i32, i32
  }
  func.func @transform_6(%arg0: i32) -> (i32, i32) {
    %c0_i32 = arith.constant 0 : i32
    %c0_i32_0 = arith.constant 0 : i32
    %c0_i32_1 = arith.constant 0 : i32
    return %c0_i32, %c0_i32_0 : i32, i32
  }
  func.func @transform_7(%arg0: i32) -> (i32, i32) {
    %c0_i32 = arith.constant 0 : i32
    %c0_i32_0 = arith.constant 0 : i32
    %c0_i32_1 = arith.constant 0 : i32
    return %c0_i32, %c0_i32_0 : i32, i32
  }
  func.func @transform_8(%arg0: i32) -> (i32, i32) {
    %c0_i32 = arith.constant 0 : i32
    %c0_i32_0 = arith.constant 0 : i32
    %c0_i32_1 = arith.constant 0 : i32
    return %c0_i32, %c0_i32_0 : i32, i32
  }
  func.func @transform_9(%arg0: i32) -> (i32, i32) {
    %add3A = arith.constant 0 : i32
    %add3A_0 = arith.addi %arg0, %add3A : i32
    %c0_i32 = arith.constant 0 : i32
    %c0_i32_1 = arith.constant 0 : i32
    return %c0_i32, %add3A_0 : i32, i32
  }
}

module attributes {stable_mosaic.version = 14 : i64} {
  func.func @_mlp_body(%arg0: i32, %arg1: memref<4096x256xf32, #tpu.memory_space<vmem>>, %arg2: memref<4096x256xf32, #tpu.memory_space<vmem>>, %arg3: memref<32x4096xf32, #tpu.memory_space<vmem>>, %arg4: memref<64x544xf32, #tpu.memory_space<vmem>>, %arg5: memref<1x64xf32, #tpu.memory_space<vmem>>, %arg6: memref<64x64xf32, #tpu.memory_space<vmem>>, %arg7: memref<1x64xf32, #tpu.memory_space<vmem>>, %arg8: memref<64x64xf32, #tpu.memory_space<vmem>>, %arg9: memref<1x64xf32, #tpu.memory_space<vmem>>, %arg10: memref<64x16384xf32, #tpu.memory_space<any>>, %arg11: memref<64x4096xf32, #tpu.memory_space<vmem>>) attributes {dimension_semantics = [#tpu.dimension_semantics<arbitrary>], iteration_bounds = array<i64: 2>, scalar_prefetch = 0 : i64, scratch_operands = 0 : i64, tpu.core_type = #tpu.core_type<tc>, window_params = [{transform_indices = @transform_0, window_bounds = array<i64: 4096, 256>}, {transform_indices = @transform_1, window_bounds = array<i64: 4096, 256>}, {transform_indices = @transform_2, window_bounds = array<i64: 32, 4096>}, {pipeline_mode = #tpu.pipeline_mode<synchronous>, transform_indices = @transform_3, window_bounds = array<i64: 64, 544>}, {pipeline_mode = #tpu.pipeline_mode<synchronous>, transform_indices = @transform_4, window_bounds = array<i64: 1, 64>}, {pipeline_mode = #tpu.pipeline_mode<synchronous>, transform_indices = @transform_5, window_bounds = array<i64: 64, 64>}, {pipeline_mode = #tpu.pipeline_mode<synchronous>, transform_indices = @transform_6, window_bounds = array<i64: 1, 64>}, {pipeline_mode = #tpu.pipeline_mode<synchronous>, transform_indices = @transform_7, window_bounds = array<i64: 64, 64>}, {pipeline_mode = #tpu.pipeline_mode<synchronous>, transform_indices = @transform_8, window_bounds = array<i64: 1, 64>}, {}, {transform_indices = @transform_10, window_bounds = array<i64: 64, 4096>}]} {
    %get3A = arith.constant 0 : index
    %get3A_0 = arith.constant 0 : index
    %get3A_1 = vector.load %arg4[%get3A, %get3A_0] : memref<64x544xf32, #tpu.memory_space<vmem>>, vector<64x544xf32>
    %slice3A = vector.extract_strided_slice %get3A_1 {offsets = [0, 0], sizes = [64, 256], strides = [1, 1]} : vector<64x544xf32> to vector<64x256xf32>
    %slice3A_2 = vector.extract_strided_slice %get3A_1 {offsets = [0, 256], sizes = [64, 256], strides = [1, 1]} : vector<64x544xf32> to vector<64x256xf32>
    %slice3A_3 = vector.extract_strided_slice %get3A_1 {offsets = [0, 512], sizes = [64, 32], strides = [1, 1]} : vector<64x544xf32> to vector<64x32xf32>
    %get3A_4 = arith.constant 0 : index
    %get3A_5 = arith.constant 0 : index
    %get3A_6 = vector.load %arg1[%get3A_4, %get3A_5] : memref<4096x256xf32, #tpu.memory_space<vmem>>, vector<4096x256xf32>
    %dot_general3A = arith.constant dense<0.000000e+00> : vector<4096x64xf32>
    %dot_general3A_7 = tpu.matmul %get3A_6, %slice3A, %dot_general3A {dimension_numbers = #tpu.dot_dimension_numbers<[1], [1], [0], [0], [0, 0, 1, 0], [], []>, transpose_lhs_hint = false} : vector<4096x256xf32>, vector<64x256xf32>, vector<4096x64xf32> -> vector<4096x64xf32>
    %get3A_8 = arith.constant 0 : index
    %get3A_9 = arith.constant 0 : index
    %get3A_10 = vector.load %arg2[%get3A_8, %get3A_9] : memref<4096x256xf32, #tpu.memory_space<vmem>>, vector<4096x256xf32>
    %dot_general3A_11 = arith.constant dense<0.000000e+00> : vector<4096x64xf32>
    %dot_general3A_12 = tpu.matmul %get3A_10, %slice3A_2, %dot_general3A_11 {dimension_numbers = #tpu.dot_dimension_numbers<[1], [1], [0], [0], [0, 0, 1, 0], [], []>, transpose_lhs_hint = false} : vector<4096x256xf32>, vector<64x256xf32>, vector<4096x64xf32> -> vector<4096x64xf32>
    %add3A = arith.addf %dot_general3A_7, %dot_general3A_12 : vector<4096x64xf32>
    %get3A_13 = arith.constant 0 : index
    %get3A_14 = arith.constant 0 : index
    %get3A_15 = vector.load %arg5[%get3A_13, %get3A_14] : memref<1x64xf32, #tpu.memory_space<vmem>>, vector<1x64xf32>
    %add3A_16 = vector.broadcast %get3A_15 : vector<1x64xf32> to vector<4096x64xf32>
    %add3A_17 = arith.addf %add3A, %add3A_16 : vector<4096x64xf32>
    %transpose3A = tpu.transpose %add3A_17, [1, 0] : vector<4096x64xf32> -> vector<64x4096xf32>
    %get3A_18 = arith.constant 0 : index
    %get3A_19 = arith.constant 0 : index
    %get3A_20 = vector.load %arg3[%get3A_18, %get3A_19] : memref<32x4096xf32, #tpu.memory_space<vmem>>, vector<32x4096xf32>
    %dot_general3A_21 = arith.constant dense<0.000000e+00> : vector<64x4096xf32>
    %dot_general3A_22 = tpu.matmul %slice3A_3, %get3A_20, %dot_general3A_21 {dimension_numbers = #tpu.dot_dimension_numbers<[1], [0], [0], [1], [0, 0, 1, 1], [], []>, transpose_lhs_hint = false} : vector<64x32xf32>, vector<32x4096xf32>, vector<64x4096xf32> -> vector<64x4096xf32>
    %add3A_23 = arith.addf %transpose3A, %dot_general3A_22 : vector<64x4096xf32>
    %max3A = arith.constant 0.000000e+00 : f32
    %max3A_24 = vector.broadcast %max3A : f32 to vector<64x4096xf32>
    %max3A_25 = arith.maximumf %add3A_23, %max3A_24 : vector<64x4096xf32>
    %get3A_26 = arith.constant 0 : index
    %get3A_27 = arith.constant 0 : index
    %get3A_28 = vector.load %arg6[%get3A_26, %get3A_27] : memref<64x64xf32, #tpu.memory_space<vmem>>, vector<64x64xf32>
    %dot_general3A_29 = arith.constant dense<0.000000e+00> : vector<64x4096xf32>
    %dot_general3A_30 = tpu.matmul %get3A_28, %max3A_25, %dot_general3A_29 {dimension_numbers = #tpu.dot_dimension_numbers<[0], [0], [1], [1], [0, 1, 1, 1], [], []>, transpose_lhs_hint = false} : vector<64x64xf32>, vector<64x4096xf32>, vector<64x4096xf32> -> vector<64x4096xf32>
    %get3A_31 = arith.constant 0 : index
    %get3A_32 = arith.constant 0 : index
    %get3A_33 = vector.load %arg7[%get3A_31, %get3A_32] : memref<1x64xf32, #tpu.memory_space<vmem>>, vector<1x64xf32>
    %transpose3A_34 = tpu.transpose %get3A_33, [1, 0] : vector<1x64xf32> -> vector<64x1xf32>
    %add3A_35 = vector.broadcast %transpose3A_34 : vector<64x1xf32> to vector<64x4096xf32>
    %add3A_36 = arith.addf %dot_general3A_30, %add3A_35 : vector<64x4096xf32>
    %max3A_37 = arith.constant 0.000000e+00 : f32
    %max3A_38 = vector.broadcast %max3A_37 : f32 to vector<64x4096xf32>
    %max3A_39 = arith.maximumf %add3A_36, %max3A_38 : vector<64x4096xf32>
    %get3A_40 = arith.constant 0 : index
    %get3A_41 = arith.constant 0 : index
    %get3A_42 = vector.load %arg8[%get3A_40, %get3A_41] : memref<64x64xf32, #tpu.memory_space<vmem>>, vector<64x64xf32>
    %dot_general3A_43 = arith.constant dense<0.000000e+00> : vector<64x4096xf32>
    %dot_general3A_44 = tpu.matmul %get3A_42, %max3A_39, %dot_general3A_43 {dimension_numbers = #tpu.dot_dimension_numbers<[0], [0], [1], [1], [0, 1, 1, 1], [], []>, transpose_lhs_hint = false} : vector<64x64xf32>, vector<64x4096xf32>, vector<64x4096xf32> -> vector<64x4096xf32>
    %get3A_45 = arith.constant 0 : index
    %get3A_46 = arith.constant 0 : index
    %get3A_47 = vector.load %arg9[%get3A_45, %get3A_46] : memref<1x64xf32, #tpu.memory_space<vmem>>, vector<1x64xf32>
    %transpose3A_48 = tpu.transpose %get3A_47, [1, 0] : vector<1x64xf32> -> vector<64x1xf32>
    %add3A_49 = vector.broadcast %transpose3A_48 : vector<64x1xf32> to vector<64x4096xf32>
    %add3A_50 = arith.addf %dot_general3A_44, %add3A_49 : vector<64x4096xf32>
    %swap3A = arith.constant 0 : index
    %swap3A_51 = arith.constant 0 : index
    %swap3A_52 = vector.load %arg11[%swap3A, %swap3A_51] : memref<64x4096xf32, #tpu.memory_space<vmem>>, vector<64x4096xf32>
    tpu.vector_store %arg11[%swap3A, %swap3A_51], %add3A_50 {strides = array<i32>} : memref<64x4096xf32, #tpu.memory_space<vmem>>, vector<64x4096xf32>,
    return
  }
  func.func @transform_0(%arg0: i32) -> (i32, i32) {
    %c0_i32 = arith.constant 0 : i32
    %c0_i32_0 = arith.constant 0 : i32
    return %arg0, %c0_i32 : i32, i32
  }
  func.func @transform_1(%arg0: i32) -> (i32, i32) {
    %add3A = arith.constant 2 : i32
    %add3A_0 = arith.addi %arg0, %add3A : i32
    %c0_i32 = arith.constant 0 : i32
    %c0_i32_1 = arith.constant 0 : i32
    return %add3A_0, %c0_i32 : i32, i32
  }
  func.func @transform_2(%arg0: i32) -> (i32, i32) {
    %add3A = arith.constant 2 : i32
    %add3A_0 = arith.addi %arg0, %add3A : i32
    %c0_i32 = arith.constant 0 : i32
    %c0_i32_1 = arith.constant 0 : i32
    return %c0_i32, %add3A_0 : i32, i32
  }
  func.func @transform_3(%arg0: i32) -> (i32, i32) {
    %c0_i32 = arith.constant 0 : i32
    %c0_i32_0 = arith.constant 0 : i32
    %c0_i32_1 = arith.constant 0 : i32
    return %c0_i32, %c0_i32_0 : i32, i32
  }
  func.func @transform_4(%arg0: i32) -> (i32, i32) {
    %c0_i32 = arith.constant 0 : i32
    %c0_i32_0 = arith.constant 0 : i32
    %c0_i32_1 = arith.constant 0 : i32
    return %c0_i32, %c0_i32_0 : i32, i32
  }
  func.func @transform_5(%arg0: i32) -> (i32, i32) {
    %c0_i32 = arith.constant 0 : i32
    %c0_i32_0 = arith.constant 0 : i32
    %c0_i32_1 = arith.constant 0 : i32
    return %c0_i32, %c0_i32_0 : i32, i32
  }
  func.func @transform_6(%arg0: i32) -> (i32, i32) {
    %c0_i32 = arith.constant 0 : i32
    %c0_i32_0 = arith.constant 0 : i32
    %c0_i32_1 = arith.constant 0 : i32
    return %c0_i32, %c0_i32_0 : i32, i32
  }
  func.func @transform_7(%arg0: i32) -> (i32, i32) {
    %c0_i32 = arith.constant 0 : i32
    %c0_i32_0 = arith.constant 0 : i32
    %c0_i32_1 = arith.constant 0 : i32
    return %c0_i32, %c0_i32_0 : i32, i32
  }
  func.func @transform_8(%arg0: i32) -> (i32, i32) {
    %c0_i32 = arith.constant 0 : i32
    %c0_i32_0 = arith.constant 0 : i32
    %c0_i32_1 = arith.constant 0 : i32
    return %c0_i32, %c0_i32_0 : i32, i32
  }
  func.func @transform_10(%arg0: i32) -> (i32, i32) {
    %add3A = arith.constant 2 : i32
    %add3A_0 = arith.addi %arg0, %add3A : i32
    %c0_i32 = arith.constant 0 : i32
    %c0_i32_1 = arith.constant 0 : i32
    return %c0_i32, %add3A_0 : i32, i32
  }
}

</mosaic_0001>

<sc_bundles>
// kernel: kernel.6.cloned.1.call-start
scs
__scs_entry_jumppad:
0x0: {  	(pc) =	sbr.rel $0x88, $3  }
0x1: {  	(tag) =	ssettag $0x0;
	lr =	simm.s32 $0x1  }
0x2: {  	[smem:$0x3F99] =	sst lr;
	_ =	strace $0xD0000000  }
0x3: {  	_ = 	snop  }
0x4: {  	_ = 	snop  }
0x5: {  	_ = 	snop  }
0x6: {  	_ = 	snop  }
0x7: {  	_ = 	snop  }
__scs_overlays_trampoline_lowered:
0x8: {  	[smem:$0x3FA8] =	sst s0  }
0x9: {  	[smem:$0x3FA9] =	sst s1  }
0xa: {  	[smem:$0x3FAA] =	sst s2  }
0xb: {  	[smem:$0x3FAB] =	sst s3  }
0xc: {  	[smem:$0x3FAC] =	sst s4  }
0xd: {  	[smem:$0x3FAD] =	sst s5  }
0xe: {  	[smem:$0x3FAE] =	sst s6  }
0xf: {  	[smem:$0x3FAF] =	sst s7  }
0x10: {  	[smem:$0x3FB0] =	sst s8  }
0x11: {  	[smem:$0x3FB1] =	sst s9;
	s0 =	simm.s32 @!p0 $0x0  }
0x12: {  	s1 =	sld [smem:$0x3F97];
	s0 =	simm.s32 @p0 $0x1  }
0x13: {  	[smem:$0x3FB2] =	sst s0;
	s0 =	simm.s32 @!p1 $0x0  }
0x14: {  	s2 =	sld [smem:$0x3F96];
	s0 =	simm.s32 @p1 $0x1  }
0x15: {  	[smem:$0x3FB3] =	sst s0;
	s0 =	simm.s32 @!p2 $0x0  }
0x16: {  	s3 =	sld [smem:$0x3FDB];
	s0 =	simm.s32 @p2 $0x1  }
0x17: {  	s4 =	simm.s32 $0x1BF5;
	[smem:$0x3FB5] =	sst s0  }
0x18: {  	s0 =	sld [smem:$0x3F98];
	_ =	swait.ge [sflag:s4], $0x0  }
0x19: {  	s7 =	sld [smem:$0x3F99]  }
0x1a: {  	s8 =	sadd.s32 $0xFFFFE003, lr  }
0x1b: {  	s9 =	sadd.s32 $0xFFFFFEF7, lr;
	s5 =	simm.s32 $0xFFFFFFFF;
	p2 =	slt.u32 s8, $0xFFFFF086  }
0x1c: {  	p1 =	slt.u32 s9, $0xF7A;
	s5 =	simm.s32 @!p2 $0x0  }
0x1d: {  	s5 =	simm.s32 @p1 $0x1;
	p0 =	seq.s32 s7, s2  }
0x1e: {  	s7 =	smul.u32 @!p0 $0xF7A, s2;
	p2 =	seq.s32 @!p0 s5, $0x0  }
0x1f: {  	s9 =	smul.u32 $0xF7A, s1;
	s8 =	simm.s32 @!p0 $0x1BF5;
	p2 =	por !p2, p0  }
0x20: {  	[sflag:s8] =	ssyncset.s32 @!p0 $0xFFFFF086;
	s6 =	sadd.s32 @!p0 s3, s7;
	s7 =	simm.s32 @!p0 $0x108  }
0x21: {  	s3 =	sadd.s32 s3, s9;
	s6 =	sadd.s32 @!p0 $0x88, s6;
	s7 =	simm.s32 @p2 $0x1082  }
0x22: {  	[simem:s7], [sflag:s8] =	dma.local @!p0 [hbm:s6], $0xF7A  }
0x23: {  	s9 =	sor.u32 $0xD0000000, s2;
	s6 =	simm.s32 $0x108;
	_ =	swait.ge @!p0 [sflag:s8], $0x0  }
0x24: {  	s3 =	sadd.s32 $0x88, s3;
	s6 =	simm.s32 @!p1 $0x1082;
	[sflag:s4] =	ssyncset.s32 $0xFFFFF086  }
0x25: {  	[simem:s6], [sflag:s4] =	dma.local [hbm:s3], $0xF7A  }
0x26: {  	[smem:$0x3F99] =	sst s1;
	(tag) =	ssettag s2;
	_ =	strace s9  }
0x27: {  	s1 =	sld [smem:$0x3FA9]  }
0x28: {  	s2 =	sld [smem:$0x3FAA]  }
0x29: {  	s4 =	sld [smem:$0x3FAC]  }
0x2a: {  	p0 =	seq.s32 s5, $0x0;
	s5 =	sld [smem:$0x3FAD]  }
0x2b: {  	s6 =	sld [smem:$0x3FAE]  }
0x2c: {  	s7 =	sld [smem:$0x3FAF]  }
0x2d: {  	s3 =	simm.s32 $0x108;
	s8 =	sld [smem:$0x3FB0]  }
0x2e: {  	s3 =	simm.s32 @!p0 $0x1082;
	s9 =	sld [smem:$0x3FB1]  }
0x2f: {  	lr =	sadd.s32 s0, s3;
	s0 =	sld [smem:$0x3FA8]  }
0x30: {  	s3 =	sld [smem:$0x3FAB]  }
0x31: {  	[smem:$0x3FB4] =	sst s10  }
0x32: {  	s10 =	sld [smem:$0x3FB2];
	_ =	sdelay $0x3  }
0x33: {  	p0 =	seq.s32 s10, $0x1;
	s10 =	sld [smem:$0x3FB4];
	_ =	sdelay $0x3  }
0x34: {  	[smem:$0x3FB4] =	sst s10  }
0x35: {  	s10 =	sld [smem:$0x3FB3];
	_ =	sdelay $0x3  }
0x36: {  	p1 =	seq.s32 s10, $0x1;
	s10 =	sld [smem:$0x3FB4];
	_ =	sdelay $0x3  }
0x37: {  	[smem:$0x3FB4] =	sst s10  }
0x38: {  	s10 =	sld [smem:$0x3FB5]  }
0x39: {  	_ = 	snop;
	(pc) =	sbr.ind lr, $3  }
0x3a: {  	_ = 	snop  }
0x3b: {  	_ = 	snop  }
0x3c: {  	p2 =	seq.s32 s10, $0x1;
	s10 =	sld [smem:$0x3FB4]  }
0x3d: {  	_ =	shalt  }
0x3e: {  	_ =	shalt  }
0x3f: {  	_ =	shalt  }
0x40: {  	_ =	shalt  }
0x41: {  	_ =	shalt  }
0x42: {  	_ =	shalt  }
0x43: {  	_ =	shalt  }
0x44: {  	_ =	shalt  }
0x45: {  	_ =	shalt  }
0x46: {  	_ =	shalt  }
0x47: {  	_ =	shalt  }
0x48: {  	_ =	shalt  }
0x49: {  	_ =	shalt  }
0x4a: {  	_ =	shalt  }
0x4b: {  	_ =	shalt  }
0x4c: {  	_ =	shalt  }
0x4d: {  	_ =	shalt  }
0x4e: {  	_ =	shalt  }
0x4f: {  	_ =	shalt  }
0x50: {  	_ =	shalt  }
0x51: {  	_ =	shalt  }
0x52: {  	_ =	shalt  }
0x53: {  	_ =	shalt  }
0x54: {  	_ =	shalt  }
0x55: {  	_ =	shalt  }
0x56: {  	_ =	shalt  }
0x57: {  	_ =	shalt  }
0x58: {  	_ =	shalt  }
0x59: {  	_ =	shalt  }
0x5a: {  	_ =	shalt  }
0x5b: {  	_ =	shalt  }
0x5c: {  	_ =	shalt  }
0x5d: {  	_ =	shalt  }
0x5e: {  	_ =	shalt  }
0x5f: {  	_ =	shalt  }
0x60: {  	_ =	shalt  }
0x61: {  	_ =	shalt  }
0x62: {  	_ =	shalt  }
0x63: {  	_ =	shalt  }
0x64: {  	_ =	shalt  }
0x65: {  	_ =	shalt  }
0x66: {  	_ =	shalt  }
0x67: {  	_ =	shalt  }
0x68: {  	_ =	shalt  }
0x69: {  	_ =	shalt  }
0x6a: {  	_ =	shalt  }
0x6b: {  	_ =	shalt  }
0x6c: {  	_ =	shalt  }
0x6d: {  	_ =	shalt  }
0x6e: {  	_ =	shalt  }
0x6f: {  	_ =	shalt  }
0x70: {  	_ =	shalt  }
0x71: {  	_ =	shalt  }
0x72: {  	_ =	shalt  }
0x73: {  	_ =	shalt  }
0x74: {  	_ =	shalt  }
0x75: {  	_ =	shalt  }
0x76: {  	_ =	shalt  }
0x77: {  	_ =	shalt  }
0x78: {  	_ =	shalt  }
0x79: {  	_ =	shalt  }
0x7a: {  	_ =	shalt  }
0x7b: {  	_ =	shalt  }
0x7c: {  	_ =	shalt  }
0x7d: {  	_ =	shalt  }
0x7e: {  	_ =	shalt  }
0x7f: {  	_ =	shalt  }
0x80: {  	_ =	shalt  }
0x81: {  	_ =	shalt  }
0x82: {  	_ =	shalt  }
0x83: {  	_ =	shalt  }
0x84: {  	_ =	shalt  }
0x85: {  	_ =	shalt  }
0x86: {  	_ =	shalt  }
0x87: {  	_ =	shalt  }
.Lfunc_end0:
.L_simem_size_0:
called_computation_lowered:
.L_overlay_start_0:
0x88: {  	s2 =	sld [smem:$0x3FD9]  }
0x89: {  	s3 =	sld [smem:$0x3FFE];
	_ =	sdelay $0x1  }
0x8a: {  	s1 =	srdreg.scid  }
0x8b: {  	s0 =	sand.u32 $0x1, s1  }
0x8c: {  	s17 =	sshll.u32 s0, $0xA;
	s2 =	sadd.s32 s3, s2  }
0x8d: {  	s2 =	sadd.s32 s2, s17  }
0x8e: {  	[smem:$0x3FC0] =	sst s2  }
0x8f: {  	_ = 	snop  }
0x90: {  	s2 =	sld [smem:$0x3FC9]  }
0x91: {  	s18 =	sld [smem:$0x3FC8];
	(tm) =	ssettm $0x1  }
0x92: {  	s4 =	sld [smem:$0x3FFB];
	_ =	sdelay $0x3  }
0x93: {  	_ =	strace s4  }
0x94: {  	s4 =	sld [smem:$0x3FFC];
	_ =	sdelay $0x3  }
0x95: {  	_ =	strace s4  }
0x96: {  	s4 =	sld [smem:$0x3FFD];
	_ =	sdelay $0x3  }
0x97: {  	_ =	strace s4  }
0x98: {  	_ =	strace $0x8FFFFFFF  }
0x99: {  	s19 =	sld [smem:$0x3FDB];
	_ =	sdelay $0x1  }
0x9a: {  	s5 =	simm.s32 $_scs_section_size  }
0x9b: {  	s6 =	simm.s32 $_size__tile_overlayer_lowered;
	s7 =	simm.s32 $_tile_overlayer_lowered  }
0x9c: {  	s22 =	simm.s32 $0x1BFF;
	s21 =	sshll.u32 s7, $0x1;
	s4 =	sadd.s32 s5, s19  }
0x9d: {  	s8 =	simm.s32 $0x0;
	s20 =	sshll.u32 s6, $0x1;
	s6 =	sadd.s32 s21, s4  }
0x9e: {  	[timem:s8], [sflag:s22] =	dma.local [hbm:s6], s20  }
0x9f: {  	_ =	swait.ge [sflag:s22], s20  }
0xa0: {  	s5 =	ssub.s32 $0x0, s20;
	[sflag:s22] =	ssyncset.done $0x0  }
0xa1: {  	[sflag:s22] =	ssyncadd.s32 s5;
	_ =	sdelay $0x1  }
0xa2: {  	s23 =	simm.s32 $0x1B8B  }
0xa3: {  	_ =	swait.ge [sflag:s23], $0x1  }
0xa4: {  	[sflag:s23] =	ssyncset.done $0x0  }
0xa5: {  	s25 =	simm.s32 $0x1B8E;
	s24 =	sld [smem:$0x3FFE];
	[sflag:s23] =	ssyncadd.s32 $0xFFFFFFFF  }
0xa6: {  	s26 =	simm.s32 $execute0_lowered;
	[smem:$0x3FD2] =	sst s25  }
0xa7: {  	s6 =	sshll.u32 s26, $0x1;
	_ =	strace $0x80000046;
	[dreg:$0x1] =	wrdreg $0xFFFFFFFF  }
0xa8: {  	s28 =	simm.s32 $_size_execute0_lowered;
	s4 =	sadd.s32 s4, s6;
	[dreg:$0x0] =	wrdreg $0x0  }
0xa9: {  	s6 =	sshll.u32 s28, $0x1;
	[dreg:$0x2] =	wrdreg s4  }
0xaa: {  	[dreg:$0x3] =	wrdreg s6  }
0xab: {  	[dreg:$0x4] =	wrdreg $0xC0  }
0xac: {  	_ =	task [dreg:s8], $0x5FFFF  }
0xad: {  	[dreg:$0x1] =	wrdreg $0xFFFFFFFF  }
0xae: {  	[dreg:$0x0] =	wrdreg $0x60  }
0xaf: {  	[dreg:$0x2] =	wrdreg s18  }
0xb0: {  	[dreg:$0x3] =	wrdreg s2  }
0xb1: {  	[dreg:$0x4] =	wrdreg s24  }
0xb2: {  	[dreg:$0x5] =	wrdreg $0x9  }
0xb3: {  	_ =	task.clear_ibuf [dreg:s8], $0x6FFFF;
	_ =	strace $0x90000046  }
0xb4: {  	s29 =	simm.s32 $0x9;
	_ =	strace $0x80000048  }
0xb5: {  	_ =	swait.ge [sflag:s29], $0x1  }
0xb6: {  	[sflag:s29] =	ssyncadd.s32 $0xFFFFFFFF  }
0xb7: {  	_ =	strace $0x90000048  }
0xb8: {  	_ =	sfence  }
0xb9: {  	s30 =	sld [smem:$0x0];
	_ =	sdelay $0x2  }
0xba: {  	s31 =	sshll.u32 s1, $0xD;
	s1 =	sshrl.u32 s1, $0x2  }
0xbb: {  	s3 =	sand.u32 $0x4000, s31;
	s1 =	sadd.s32 s1, s30  }
0xbc: {  	s0 =	sor.u32 s3, s0;
	s1 =	sshll.u32 s1, $0x11  }
0xbd: {  	s0 =	sor.u32 s1, s0  }
0xbe: {  	s0 =	sadd.s32 $0x8F2B, s0  }
0xbf: {  	[sflag:s0] =	ssyncadd.remote.s32 $0x1  }
0xc0: {  	_ =	sfence.sel $0xFFFF  }
0xc1: {  	[dreg:$0x0] =	wrdreg $0xFFFFFFFF;
	(pc) =	sbr.abs _section_cstart, $3  }
0xc2: {  	[dreg:$0x1] =	wrdreg $0xFFFFFFFF  }
0xc3: {  	_ =	task.clear_ibuf [dreg:s8], $0x2FFFF;
	_ =	strace $0x9FFFFFFF  }
0xc4: {  	(tm) =	ssettm $0x7FFFFFFF  }
0xc5: {  	_ =	shalt  }
tec
execute0_lowered:
.L_overlay_start_1:
0x0: {  	(tag) =	ssettag $0x1  }
0x1: {  	s2 =	rddreg [dreg:$0x0]  }
0x2: {  	s0 =	rddreg [dreg:$0x1];
	s1 =	srdreg.scid  }
0x3: {  	s4 =	rddreg [dreg:$0x2];
	s7 =	stileid.u32;
	s3 =	simm.s32 $0x0  }
0x4: {  	s11 =	simm.s32 $0x400;
	s12 =	simm.s32 $0x3;
	s13 =	simm.s32 $0xC00  }
0x5: {  	s14 =	simm.s32 $0x1400;
	s15 =	simm.s32 $0x1C00;
	s16 =	simm.s32 $0x2400  }
0x6: {  	s17 =	simm.s32 $0x2C00;
	s18 =	simm.s32 $0x3400;
	s19 =	simm.s32 $0x3C00  }
0x7: {  	s20 =	simm.s32 $0x4400;
	s21 =	simm.s32 $0x4C00;
	s22 =	simm.s32 $0x5400  }
0x8: {  	s28 =	simm.s32 $0x7C00;
	s29 =	simm.s32 $0x8400;
	s30 =	simm.s32 $0x1  }
0x9: {  	s31 =	simm.s32 $0x10400;
	s1 =	sand.u32 $0x1, s1;
	s5 =	sshll.u32 s7, $0xA  }
0xa: {  	s23 =	sshrl.u32 s7, $0x3;
	[smem:$0x7FF] =	sst s3;
	s6 =	sshll.u32 s1, $0x9  }
0xb: {  	s8 =	sshll.u32 s23, $0x10;
	_ =	strace $0x80000047;
	s1 =	ssub.s32 $0x2, s1  }
0xc: {  	s5 =	sor.u32 s6, s5;
	s6 =	sshll.u32 s23, $0x7;
	s25 =	sshrl.u32 s1, $0x1  }
0xd: {  	s23 =	simm.s32 $0x5C00;
	s24 =	sshll.u32 s5, $0x3;
	s5 =	sshll.u32 s5, $0x5  }
0xe: {  	s1 =	ssub.s32 s1, s25;
	s25 =	simm.s32 $0x6C00;
	s7 =	ssub.s32 s24, s8  }
0xf: {  	s4 =	sadd.s32 s5, s4;
	s9 =	smax.u32 s1, $0x1;
	s24 =	simm.s32 $0x6400  }
0x10: {  	s1 =	simm.s32 $0x0;
	s6 =	sor.u32 s6, s7;
	s26 =	sadd.s32 $0x1A00, s4  }
0x11: {  	v2 =	vlaneseq.u32;
	s7 =	sadd.s32 $0x3A00, s4;
	s8 =	sadd.s32 $0x4A00, s4;
	s6 =	sshrl.u32 s6, $0x3  }
0x12: {  	vm0 =	vmmov $0xffff;
	v1 =	vshrl.u32 v2, $0x3;
	[dreg:$0x5] =	wrdreg s26;
	s26 =	simm.s32 $0x7400;
	s0 =	sadd.s32 s0, s6  }
0x13: {  	v0 =	vand.u32 $0x7, v2;
	v2 =	vor.u32 $0x8, v2;
	v1 =	vmul.u32 $0x8, v1;
	s6 =	sadd.s32 $0x2A00, s4;
	[dreg:$0x4] =	wrdreg s0;
	s0 =	simm.s32 $0x2  }
.LBB2_1:
0x14: {  	s4 =	rddreg [dreg:$0x4];
	s5 =	simm.s32 $0x80  }
0x15: {  	[tilespmem:s3], [sflag:$0x3] =	stream.strided.gather [hbm4b:s4+s5], $0x200, s11, s5, $0x38;
	[tilespmem:$0x18400] =	vst v63  }
0x16: {  	_ =	swait.ge [sflag:s12], $0x200  }
0x17: {  	[sflag:s12] =	ssyncset.done $0x0  }
0x18: {  	s10 =	simm.s32 $0x0;
	[sflag:s12] =	ssyncadd.s32 $0xFFFFFE00  }
0x19: {  	s4 =	simm.s32 $0x40;
	v3 =	vld [tilespmem:s10+$0x0]  }
.LBB2_2:
0x1a: {  	_ =	sdelay $0x1  }
0x1b: {  	p0 =	sne.s32 s4, $0x7C0  }
.Ltmp0:
0x1c: {  	_ = 	snop;
	(pc) =	sbr.rel @p0 .LBB2_2-.Ltmp0, $4  }
0x1d: {  	v4 =	vtrunc.f32 v3  }
0x1e: {  	v4 =	vcvt.f32.s32 v4  }
0x1f: {  	s5 =	sshra.s32 s4, $0x2  }
0x20: {  	s4 =	sadd.s32 $0x40, s4;
	v3 =	vld [tilespmem:s5+$0x0];
	[tilespmem:s10+$0x200] =	vst v4;
	s10 =	smov.u32 s5  }
0x21: {  	_ =	sdelay $0x3  }
0x22: {  	v3 =	vtrunc.f32 v3  }
0x23: {  	v3 =	vcvt.f32.s32 v3;
	_ =	sdelay $0x1  }
0x24: {  	[tilespmem:s10+$0x200] =	vst v3  }
0x25: {  	v3 =	vld [tilespmem:$0x200];
	_ =	sdelay $0x4  }
0x26: {  	v4 =	vshll.u32 v3, $0x1  }
0x27: {  	v3 =	vand.u32 $0x7, v3;
	v4 =	vand.u32 $0xFFFFFFF0, v4  }
0x28: {  	v3 =	vor.u32 v3, v4  }
0x29: {  	v4 =	vperm.xlane v3, v0;
	_ =	sdelay $0x1  }
0x2a: {  	v3 =	vperm.xlane v3, v2;
	v4 =	vadd.s32 v1, v4;
	_ =	sdelay $0x1  }
0x2b: {  	v3 =	vadd.s32 v1, v3;
	_ =	sdelay $0x2  }
0x2c: {  	[tilespmem:s11], [sflag:$0x1] =	stream.indirect_vreg.gather [hbm4b:s2+s3], $0x80, v4, vm0, $0xb8;
	[tilespmem:$0x18400] =	vst v63  }
0x2d: {  	_ = 	snop  }
0x2e: {  	[tilespmem:s13], [sflag:$0x1] =	stream.indirect_vreg.gather [hbm4b:s2+s3], $0x80, v3, vm0, $0xb8;
	[tilespmem:$0x18400] =	vst v63  }
0x2f: {  	v3 =	vld [tilespmem:$0x210];
	_ =	sdelay $0x4  }
0x30: {  	v33 =	vshll.u32 v3, $0x1  }
0x31: {  	v3 =	vand.u32 $0x7, v3;
	v4 =	vand.u32 $0xFFFFFFF0, v33  }
0x32: {  	v3 =	vor.u32 v3, v4  }
0x33: {  	v4 =	vperm.xlane v3, v0;
	_ =	sdelay $0x1  }
0x34: {  	v3 =	vperm.xlane v3, v2;
	v4 =	vadd.s32 v1, v4;
	_ =	sdelay $0x1  }
0x35: {  	v3 =	vadd.s32 v1, v3;
	_ =	sdelay $0x2  }
0x36: {  	[tilespmem:s14], [sflag:$0x1] =	stream.indirect_vreg.gather [hbm4b:s2+s3], $0x80, v4, vm0, $0xb8;
	[tilespmem:$0x18400] =	vst v63  }
0x37: {  	_ = 	snop  }
0x38: {  	[tilespmem:s15], [sflag:$0x1] =	stream.indirect_vreg.gather [hbm4b:s2+s3], $0x80, v3, vm0, $0xb8;
	[tilespmem:$0x18400] =	vst v63  }
0x39: {  	v3 =	vld [tilespmem:$0x220];
	_ =	sdelay $0x4  }
0x3a: {  	v34 =	vshll.u32 v3, $0x1  }
0x3b: {  	v3 =	vand.u32 $0x7, v3;
	v4 =	vand.u32 $0xFFFFFFF0, v34  }
0x3c: {  	v3 =	vor.u32 v3, v4  }
0x3d: {  	v4 =	vperm.xlane v3, v0;
	_ =	sdelay $0x1  }
0x3e: {  	v3 =	vperm.xlane v3, v2;
	v4 =	vadd.s32 v1, v4;
	_ =	sdelay $0x1  }
0x3f: {  	v3 =	vadd.s32 v1, v3;
	_ =	sdelay $0x2  }
0x40: {  	[tilespmem:s16], [sflag:$0x1] =	stream.indirect_vreg.gather [hbm4b:s2+s3], $0x80, v4, vm0, $0xb8;
	[tilespmem:$0x18400] =	vst v63  }
0x41: {  	_ = 	snop  }
0x42: {  	[tilespmem:s17], [sflag:$0x1] =	stream.indirect_vreg.gather [hbm4b:s2+s3], $0x80, v3, vm0, $0xb8;
	[tilespmem:$0x18400] =	vst v63  }
0x43: {  	v3 =	vld [tilespmem:$0x230];
	_ =	sdelay $0x4  }
0x44: {  	v35 =	vshll.u32 v3, $0x1  }
0x45: {  	v3 =	vand.u32 $0x7, v3;
	v4 =	vand.u32 $0xFFFFFFF0, v35  }
0x46: {  	v3 =	vor.u32 v3, v4  }
0x47: {  	v4 =	vperm.xlane v3, v0;
	_ =	sdelay $0x1  }
0x48: {  	v3 =	vperm.xlane v3, v2;
	v4 =	vadd.s32 v1, v4;
	_ =	sdelay $0x1  }
0x49: {  	v3 =	vadd.s32 v1, v3;
	_ =	sdelay $0x2  }
0x4a: {  	[tilespmem:s18], [sflag:$0x1] =	stream.indirect_vreg.gather [hbm4b:s2+s3], $0x80, v4, vm0, $0xb8;
	[tilespmem:$0x18400] =	vst v63  }
0x4b: {  	_ = 	snop  }
0x4c: {  	[tilespmem:s19], [sflag:$0x1] =	stream.indirect_vreg.gather [hbm4b:s2+s3], $0x80, v3, vm0, $0xb8;
	[tilespmem:$0x18400] =	vst v63  }
0x4d: {  	v3 =	vld [tilespmem:$0x240];
	_ =	sdelay $0x4  }
0x4e: {  	v36 =	vshll.u32 v3, $0x1  }
0x4f: {  	v3 =	vand.u32 $0x7, v3;
	v4 =	vand.u32 $0xFFFFFFF0, v36  }
0x50: {  	v3 =	vor.u32 v3, v4  }
0x51: {  	v4 =	vperm.xlane v3, v0;
	_ =	sdelay $0x1  }
0x52: {  	v3 =	vperm.xlane v3, v2;
	v4 =	vadd.s32 v1, v4;
	_ =	sdelay $0x1  }
0x53: {  	v3 =	vadd.s32 v1, v3;
	_ =	sdelay $0x2  }
0x54: {  	[tilespmem:s20], [sflag:$0x1] =	stream.indirect_vreg.gather [hbm4b:s2+s3], $0x80, v4, vm0, $0xb8;
	[tilespmem:$0x18400] =	vst v63  }
0x55: {  	_ = 	snop  }
0x56: {  	[tilespmem:s21], [sflag:$0x1] =	stream.indirect_vreg.gather [hbm4b:s2+s3], $0x80, v3, vm0, $0xb8;
	[tilespmem:$0x18400] =	vst v63  }
0x57: {  	v3 =	vld [tilespmem:$0x250];
	_ =	sdelay $0x4  }
0x58: {  	v37 =	vshll.u32 v3, $0x1  }
0x59: {  	v3 =	vand.u32 $0x7, v3;
	v4 =	vand.u32 $0xFFFFFFF0, v37  }
0x5a: {  	v3 =	vor.u32 v3, v4  }
0x5b: {  	v4 =	vperm.xlane v3, v0;
	_ =	sdelay $0x1  }
0x5c: {  	v3 =	vperm.xlane v3, v2;
	v4 =	vadd.s32 v1, v4;
	_ =	sdelay $0x1  }
0x5d: {  	v3 =	vadd.s32 v1, v3;
	_ =	sdelay $0x2  }
0x5e: {  	[tilespmem:s22], [sflag:$0x1] =	stream.indirect_vreg.gather [hbm4b:s2+s3], $0x80, v4, vm0, $0xb8;
	[tilespmem:$0x18400] =	vst v63  }
0x5f: {  	_ = 	snop  }
0x60: {  	[tilespmem:s23], [sflag:$0x1] =	stream.indirect_vreg.gather [hbm4b:s2+s3], $0x80, v3, vm0, $0xb8;
	[tilespmem:$0x18400] =	vst v63  }
0x61: {  	v3 =	vld [tilespmem:$0x260];
	_ =	sdelay $0x4  }
0x62: {  	v38 =	vshll.u32 v3, $0x1  }
0x63: {  	v3 =	vand.u32 $0x7, v3;
	v4 =	vand.u32 $0xFFFFFFF0, v38  }
0x64: {  	v3 =	vor.u32 v3, v4  }
0x65: {  	v4 =	vperm.xlane v3, v0;
	_ =	sdelay $0x1  }
0x66: {  	v3 =	vperm.xlane v3, v2;
	v4 =	vadd.s32 v1, v4;
	_ =	sdelay $0x1  }
0x67: {  	v3 =	vadd.s32 v1, v3;
	_ =	sdelay $0x2  }
0x68: {  	[tilespmem:s24], [sflag:$0x1] =	stream.indirect_vreg.gather [hbm4b:s2+s3], $0x80, v4, vm0, $0xb8;
	[tilespmem:$0x18400] =	vst v63  }
0x69: {  	_ = 	snop  }
0x6a: {  	[tilespmem:s25], [sflag:$0x1] =	stream.indirect_vreg.gather [hbm4b:s2+s3], $0x80, v3, vm0, $0xb8;
	[tilespmem:$0x18400] =	vst v63  }
0x6b: {  	v3 =	vld [tilespmem:$0x270];
	_ =	sdelay $0x4  }
0x6c: {  	v39 =	vshll.u32 v3, $0x1  }
0x6d: {  	v3 =	vand.u32 $0x7, v3;
	v4 =	vand.u32 $0xFFFFFFF0, v39  }
0x6e: {  	v3 =	vor.u32 v3, v4  }
0x6f: {  	v4 =	vperm.xlane v3, v0;
	_ =	sdelay $0x1  }
0x70: {  	v3 =	vperm.xlane v3, v2;
	v4 =	vadd.s32 v1, v4;
	_ =	sdelay $0x1  }
0x71: {  	v3 =	vadd.s32 v1, v3;
	_ =	sdelay $0x2  }
0x72: {  	[tilespmem:s26], [sflag:$0x1] =	stream.indirect_vreg.gather [hbm4b:s2+s3], $0x80, v4, vm0, $0xb8;
	[tilespmem:$0x18400] =	vst v63  }
0x73: {  	_ = 	snop  }
0x74: {  	[tilespmem:s28], [sflag:$0x1] =	stream.indirect_vreg.gather [hbm4b:s2+s3], $0x80, v3, vm0, $0xb8;
	[tilespmem:$0x18400] =	vst v63  }
0x75: {  	v3 =	vld [tilespmem:$0x280];
	_ =	sdelay $0x4  }
0x76: {  	v40 =	vshll.u32 v3, $0x1  }
0x77: {  	v3 =	vand.u32 $0x7, v3;
	v4 =	vand.u32 $0xFFFFFFF0, v40  }
0x78: {  	v3 =	vor.u32 v3, v4  }
0x79: {  	v4 =	vperm.xlane v3, v0;
	_ =	sdelay $0x1  }
0x7a: {  	v3 =	vperm.xlane v3, v2;
	v4 =	vadd.s32 v1, v4;
	_ =	sdelay $0x1  }
0x7b: {  	v3 =	vadd.s32 v1, v3;
	_ =	sdelay $0x2  }
0x7c: {  	[tilespmem:s29], [sflag:$0x1] =	stream.indirect_vreg.gather [hbm4b:s2+s3], $0x80, v4, vm0, $0xb8;
	[tilespmem:$0x18400] =	vst v63  }
0x7d: {  	s4 =	simm.s32 $0x8C00  }
0x7e: {  	[tilespmem:s4], [sflag:$0x1] =	stream.indirect_vreg.gather [hbm4b:s2+s3], $0x80, v3, vm0, $0xb8;
	[tilespmem:$0x18400] =	vst v63  }
0x7f: {  	v3 =	vld [tilespmem:$0x290];
	_ =	sdelay $0x4  }
0x80: {  	v41 =	vshll.u32 v3, $0x1  }
0x81: {  	v3 =	vand.u32 $0x7, v3;
	v4 =	vand.u32 $0xFFFFFFF0, v41  }
0x82: {  	v3 =	vor.u32 v3, v4  }
0x83: {  	v4 =	vperm.xlane v3, v0;
	_ =	sdelay $0x1  }
0x84: {  	v3 =	vperm.xlane v3, v2;
	v4 =	vadd.s32 v1, v4;
	_ =	sdelay $0x1  }
0x85: {  	v3 =	vadd.s32 v1, v3;
	_ =	sdelay $0x1  }
0x86: {  	s5 =	simm.s32 $0x9400  }
0x87: {  	[tilespmem:s5], [sflag:$0x1] =	stream.indirect_vreg.gather [hbm4b:s2+s3], $0x80, v4, vm0, $0xb8;
	[tilespmem:$0x18400] =	vst v63  }
0x88: {  	s10 =	simm.s32 $0x9C00  }
0x89: {  	[tilespmem:s10], [sflag:$0x1] =	stream.indirect_vreg.gather [hbm4b:s2+s3], $0x80, v3, vm0, $0xb8;
	[tilespmem:$0x18400] =	vst v63  }
0x8a: {  	v3 =	vld [tilespmem:$0x2A0];
	_ =	sdelay $0x4  }
0x8b: {  	v42 =	vshll.u32 v3, $0x1  }
0x8c: {  	v3 =	vand.u32 $0x7, v3;
	v4 =	vand.u32 $0xFFFFFFF0, v42  }
0x8d: {  	v3 =	vor.u32 v3, v4  }
0x8e: {  	v4 =	vperm.xlane v3, v0;
	_ =	sdelay $0x1  }
0x8f: {  	v3 =	vperm.xlane v3, v2;
	v4 =	vadd.s32 v1, v4;
	_ =	sdelay $0x1  }
0x90: {  	v3 =	vadd.s32 v1, v3;
	_ =	sdelay $0x1  }
0x91: {  	s5 =	simm.s32 $0xA400  }
0x92: {  	[tilespmem:s5], [sflag:$0x1] =	stream.indirect_vreg.gather [hbm4b:s2+s3], $0x80, v4, vm0, $0xb8;
	[tilespmem:$0x18400] =	vst v63  }
0x93: {  	s10 =	simm.s32 $0xAC00  }
0x94: {  	[tilespmem:s10], [sflag:$0x1] =	stream.indirect_vreg.gather [hbm4b:s2+s3], $0x80, v3, vm0, $0xb8;
	[tilespmem:$0x18400] =	vst v63  }
0x95: {  	v3 =	vld [tilespmem:$0x2B0];
	_ =	sdelay $0x4  }
0x96: {  	v43 =	vshll.u32 v3, $0x1  }
0x97: {  	v3 =	vand.u32 $0x7, v3;
	v4 =	vand.u32 $0xFFFFFFF0, v43  }
0x98: {  	v3 =	vor.u32 v3, v4  }
0x99: {  	v4 =	vperm.xlane v3, v0;
	_ =	sdelay $0x1  }
0x9a: {  	v3 =	vperm.xlane v3, v2;
	v4 =	vadd.s32 v1, v4;
	_ =	sdelay $0x1  }
0x9b: {  	v3 =	vadd.s32 v1, v3;
	_ =	sdelay $0x1  }
0x9c: {  	s5 =	simm.s32 $0xB400  }
0x9d: {  	[tilespmem:s5], [sflag:$0x1] =	stream.indirect_vreg.gather [hbm4b:s2+s3], $0x80, v4, vm0, $0xb8;
	[tilespmem:$0x18400] =	vst v63  }
0x9e: {  	s10 =	simm.s32 $0xBC00  }
0x9f: {  	[tilespmem:s10], [sflag:$0x1] =	stream.indirect_vreg.gather [hbm4b:s2+s3], $0x80, v3, vm0, $0xb8;
	[tilespmem:$0x18400] =	vst v63  }
0xa0: {  	v3 =	vld [tilespmem:$0x2C0];
	_ =	sdelay $0x4  }
0xa1: {  	v44 =	vshll.u32 v3, $0x1  }
0xa2: {  	v3 =	vand.u32 $0x7, v3;
	v4 =	vand.u32 $0xFFFFFFF0, v44  }
0xa3: {  	v3 =	vor.u32 v3, v4  }
0xa4: {  	v4 =	vperm.xlane v3, v0;
	_ =	sdelay $0x1  }
0xa5: {  	v3 =	vperm.xlane v3, v2;
	v4 =	vadd.s32 v1, v4;
	_ =	sdelay $0x1  }
0xa6: {  	v3 =	vadd.s32 v1, v3;
	_ =	sdelay $0x1  }
0xa7: {  	s5 =	simm.s32 $0xC400  }
0xa8: {  	[tilespmem:s5], [sflag:$0x1] =	stream.indirect_vreg.gather [hbm4b:s2+s3], $0x80, v4, vm0, $0xb8;
	[tilespmem:$0x18400] =	vst v63  }
0xa9: {  	s10 =	simm.s32 $0xCC00  }
0xaa: {  	[tilespmem:s10], [sflag:$0x1] =	stream.indirect_vreg.gather [hbm4b:s2+s3], $0x80, v3, vm0, $0xb8;
	[tilespmem:$0x18400] =	vst v63  }
0xab: {  	v3 =	vld [tilespmem:$0x2D0];
	_ =	sdelay $0x4  }
0xac: {  	v45 =	vshll.u32 v3, $0x1  }
0xad: {  	v3 =	vand.u32 $0x7, v3;
	v4 =	vand.u32 $0xFFFFFFF0, v45  }
0xae: {  	v3 =	vor.u32 v3, v4  }
0xaf: {  	v4 =	vperm.xlane v3, v0;
	_ =	sdelay $0x1  }
0xb0: {  	v3 =	vperm.xlane v3, v2;
	v4 =	vadd.s32 v1, v4;
	_ =	sdelay $0x1  }
0xb1: {  	v3 =	vadd.s32 v1, v3;
	_ =	sdelay $0x1  }
0xb2: {  	s5 =	simm.s32 $0xD400  }
0xb3: {  	[tilespmem:s5], [sflag:$0x1] =	stream.indirect_vreg.gather [hbm4b:s2+s3], $0x80, v4, vm0, $0xb8;
	[tilespmem:$0x18400] =	vst v63  }
0xb4: {  	s10 =	simm.s32 $0xDC00  }
0xb5: {  	[tilespmem:s10], [sflag:$0x1] =	stream.indirect_vreg.gather [hbm4b:s2+s3], $0x80, v3, vm0, $0xb8;
	[tilespmem:$0x18400] =	vst v63  }
0xb6: {  	v3 =	vld [tilespmem:$0x2E0];
	_ =	sdelay $0x4  }
0xb7: {  	v46 =	vshll.u32 v3, $0x1  }
0xb8: {  	v3 =	vand.u32 $0x7, v3;
	v4 =	vand.u32 $0xFFFFFFF0, v46  }
0xb9: {  	v3 =	vor.u32 v3, v4  }
0xba: {  	v4 =	vperm.xlane v3, v0;
	_ =	sdelay $0x1  }
0xbb: {  	v3 =	vperm.xlane v3, v2;
	v4 =	vadd.s32 v1, v4;
	_ =	sdelay $0x1  }
0xbc: {  	v3 =	vadd.s32 v1, v3;
	_ =	sdelay $0x1  }
0xbd: {  	s5 =	simm.s32 $0xE400  }
0xbe: {  	[tilespmem:s5], [sflag:$0x1] =	stream.indirect_vreg.gather [hbm4b:s2+s3], $0x80, v4, vm0, $0xb8;
	[tilespmem:$0x18400] =	vst v63  }
0xbf: {  	s10 =	simm.s32 $0xEC00  }
0xc0: {  	[tilespmem:s10], [sflag:$0x1] =	stream.indirect_vreg.gather [hbm4b:s2+s3], $0x80, v3, vm0, $0xb8;
	[tilespmem:$0x18400] =	vst v63  }
0xc1: {  	v3 =	vld [tilespmem:$0x2F0];
	_ =	sdelay $0x4  }
0xc2: {  	v47 =	vshll.u32 v3, $0x1  }
0xc3: {  	v3 =	vand.u32 $0x7, v3;
	v4 =	vand.u32 $0xFFFFFFF0, v47  }
0xc4: {  	v3 =	vor.u32 v3, v4  }
0xc5: {  	v4 =	vperm.xlane v3, v0;
	_ =	sdelay $0x1  }
0xc6: {  	v3 =	vperm.xlane v3, v2;
	v4 =	vadd.s32 v1, v4;
	_ =	sdelay $0x1  }
0xc7: {  	v3 =	vadd.s32 v1, v3;
	_ =	sdelay $0x1  }
0xc8: {  	s5 =	simm.s32 $0xF400  }
0xc9: {  	[tilespmem:s5], [sflag:$0x1] =	stream.indirect_vreg.gather [hbm4b:s2+s3], $0x80, v4, vm0, $0xb8;
	[tilespmem:$0x18400] =	vst v63  }
0xca: {  	s10 =	simm.s32 $0xFC00  }
0xcb: {  	[tilespmem:s10], [sflag:$0x1] =	stream.indirect_vreg.gather [hbm4b:s2+s3], $0x80, v3, vm0, $0xb8;
	[tilespmem:$0x18400] =	vst v63  }
0xcc: {  	_ =	swait.ge [sflag:s30], $0x8000  }
0xcd: {  	[sflag:s30] =	ssyncset.done $0x0  }
0xce: {  	s5 =	rddreg [dreg:$0x5];
	[sflag:s30] =	ssyncadd.s32 $0xFFFF8000  }
0xcf: {  	[hbm4b:s5+s3] =	stream.linear.scatter [tilespmem:s11], [sflag:$0x2], $0x8000, $0x38;
	[tilespmem:$0x18400] =	vst v63  }
0xd0: {  	v3 =	vld [tilespmem:$0x300];
	_ =	sdelay $0x4  }
0xd1: {  	v48 =	vshll.u32 v3, $0x1  }
0xd2: {  	v3 =	vand.u32 $0x7, v3;
	v4 =	vand.u32 $0xFFFFFFF0, v48  }
0xd3: {  	v3 =	vor.u32 v3, v4  }
0xd4: {  	v4 =	vperm.xlane v3, v0;
	_ =	sdelay $0x1  }
0xd5: {  	v3 =	vperm.xlane v3, v2;
	v4 =	vadd.s32 v1, v4;
	_ =	sdelay $0x1  }
0xd6: {  	v3 =	vadd.s32 v1, v3;
	_ =	sdelay $0x2  }
0xd7: {  	[tilespmem:s31], [sflag:$0x1] =	stream.indirect_vreg.gather [hbm4b:s2+s3], $0x80, v4, vm0, $0xb8;
	[tilespmem:$0x18400] =	vst v63  }
0xd8: {  	s10 =	simm.s32 $0x10C00  }
0xd9: {  	[tilespmem:s10], [sflag:$0x1] =	stream.indirect_vreg.gather [hbm4b:s2+s3], $0x80, v3, vm0, $0xb8;
	[tilespmem:$0x18400] =	vst v63  }
0xda: {  	v3 =	vld [tilespmem:$0x310];
	_ =	sdelay $0x4  }
0xdb: {  	v49 =	vshll.u32 v3, $0x1  }
0xdc: {  	v3 =	vand.u32 $0x7, v3;
	v4 =	vand.u32 $0xFFFFFFF0, v49  }
0xdd: {  	v3 =	vor.u32 v3, v4  }
0xde: {  	v4 =	vperm.xlane v3, v0;
	_ =	sdelay $0x1  }
0xdf: {  	v3 =	vperm.xlane v3, v2;
	v4 =	vadd.s32 v1, v4;
	_ =	sdelay $0x1  }
0xe0: {  	v3 =	vadd.s32 v1, v3;
	_ =	sdelay $0x1  }
0xe1: {  	s5 =	simm.s32 $0x11400  }
0xe2: {  	[tilespmem:s5], [sflag:$0x1] =	stream.indirect_vreg.gather [hbm4b:s2+s3], $0x80, v4, vm0, $0xb8;
	[tilespmem:$0x18400] =	vst v63  }
0xe3: {  	s10 =	simm.s32 $0x11C00  }
0xe4: {  	[tilespmem:s10], [sflag:$0x1] =	stream.indirect_vreg.gather [hbm4b:s2+s3], $0x80, v3, vm0, $0xb8;
	[tilespmem:$0x18400] =	vst v63  }
0xe5: {  	v3 =	vld [tilespmem:$0x320];
	_ =	sdelay $0x4  }
0xe6: {  	v50 =	vshll.u32 v3, $0x1  }
0xe7: {  	v3 =	vand.u32 $0x7, v3;
	v4 =	vand.u32 $0xFFFFFFF0, v50  }
0xe8: {  	v3 =	vor.u32 v3, v4  }
0xe9: {  	v4 =	vperm.xlane v3, v0;
	_ =	sdelay $0x1  }
0xea: {  	v3 =	vperm.xlane v3, v2;
	v4 =	vadd.s32 v1, v4;
	_ =	sdelay $0x1  }
0xeb: {  	v3 =	vadd.s32 v1, v3;
	_ =	sdelay $0x1  }
0xec: {  	s5 =	simm.s32 $0x12400  }
0xed: {  	[tilespmem:s5], [sflag:$0x1] =	stream.indirect_vreg.gather [hbm4b:s2+s3], $0x80, v4, vm0, $0xb8;
	[tilespmem:$0x18400] =	vst v63  }
0xee: {  	s10 =	simm.s32 $0x12C00  }
0xef: {  	[tilespmem:s10], [sflag:$0x1] =	stream.indirect_vreg.gather [hbm4b:s2+s3], $0x80, v3, vm0, $0xb8;
	[tilespmem:$0x18400] =	vst v63  }
0xf0: {  	v3 =	vld [tilespmem:$0x330];
	_ =	sdelay $0x4  }
0xf1: {  	v51 =	vshll.u32 v3, $0x1  }
0xf2: {  	v3 =	vand.u32 $0x7, v3;
	v4 =	vand.u32 $0xFFFFFFF0, v51  }
0xf3: {  	v3 =	vor.u32 v3, v4  }
0xf4: {  	v4 =	vperm.xlane v3, v0;
	_ =	sdelay $0x1  }
0xf5: {  	v3 =	vperm.xlane v3, v2;
	v4 =	vadd.s32 v1, v4;
	_ =	sdelay $0x1  }
0xf6: {  	v3 =	vadd.s32 v1, v3;
	_ =	sdelay $0x1  }
0xf7: {  	s5 =	simm.s32 $0x13400  }
0xf8: {  	[tilespmem:s5], [sflag:$0x1] =	stream.indirect_vreg.gather [hbm4b:s2+s3], $0x80, v4, vm0, $0xb8;
	[tilespmem:$0x18400] =	vst v63  }
0xf9: {  	s10 =	simm.s32 $0x13C00  }
0xfa: {  	[tilespmem:s10], [sflag:$0x1] =	stream.indirect_vreg.gather [hbm4b:s2+s3], $0x80, v3, vm0, $0xb8;
	[tilespmem:$0x18400] =	vst v63  }
0xfb: {  	v3 =	vld [tilespmem:$0x340];
	_ =	sdelay $0x4  }
0xfc: {  	v52 =	vshll.u32 v3, $0x1  }
0xfd: {  	v3 =	vand.u32 $0x7, v3;
	v4 =	vand.u32 $0xFFFFFFF0, v52  }
0xfe: {  	v3 =	vor.u32 v3, v4  }
0xff: {  	v4 =	vperm.xlane v3, v0;
	_ =	sdelay $0x1  }
0x100: {  	v3 =	vperm.xlane v3, v2;
	v4 =	vadd.s32 v1, v4;
	_ =	sdelay $0x1  }
0x101: {  	v3 =	vadd.s32 v1, v3;
	_ =	sdelay $0x1  }
0x102: {  	s5 =	simm.s32 $0x14400  }
0x103: {  	[tilespmem:s5], [sflag:$0x1] =	stream.indirect_vreg.gather [hbm4b:s2+s3], $0x80, v4, vm0, $0xb8;
	[tilespmem:$0x18400] =	vst v63  }
0x104: {  	s10 =	simm.s32 $0x14C00  }
0x105: {  	[tilespmem:s10], [sflag:$0x1] =	stream.indirect_vreg.gather [hbm4b:s2+s3], $0x80, v3, vm0, $0xb8;
	[tilespmem:$0x18400] =	vst v63  }
0x106: {  	v3 =	vld [tilespmem:$0x350];
	_ =	sdelay $0x4  }
0x107: {  	v53 =	vshll.u32 v3, $0x1  }
0x108: {  	v3 =	vand.u32 $0x7, v3;
	v4 =	vand.u32 $0xFFFFFFF0, v53  }
0x109: {  	v3 =	vor.u32 v3, v4  }
0x10a: {  	v4 =	vperm.xlane v3, v0;
	_ =	sdelay $0x1  }
0x10b: {  	v3 =	vperm.xlane v3, v2;
	v4 =	vadd.s32 v1, v4;
	_ =	sdelay $0x1  }
0x10c: {  	v3 =	vadd.s32 v1, v3;
	_ =	sdelay $0x1  }
0x10d: {  	s5 =	simm.s32 $0x15400  }
0x10e: {  	[tilespmem:s5], [sflag:$0x1] =	stream.indirect_vreg.gather [hbm4b:s2+s3], $0x80, v4, vm0, $0xb8;
	[tilespmem:$0x18400] =	vst v63  }
0x10f: {  	s10 =	simm.s32 $0x15C00  }
0x110: {  	[tilespmem:s10], [sflag:$0x1] =	stream.indirect_vreg.gather [hbm4b:s2+s3], $0x80, v3, vm0, $0xb8;
	[tilespmem:$0x18400] =	vst v63  }
0x111: {  	v3 =	vld [tilespmem:$0x360];
	_ =	sdelay $0x4  }
0x112: {  	v54 =	vshll.u32 v3, $0x1  }
0x113: {  	v3 =	vand.u32 $0x7, v3;
	v4 =	vand.u32 $0xFFFFFFF0, v54  }
0x114: {  	v3 =	vor.u32 v3, v4  }
0x115: {  	v4 =	vperm.xlane v3, v0;
	_ =	sdelay $0x1  }
0x116: {  	v3 =	vperm.xlane v3, v2;
	v4 =	vadd.s32 v1, v4;
	_ =	sdelay $0x1  }
0x117: {  	v3 =	vadd.s32 v1, v3;
	_ =	sdelay $0x1  }
0x118: {  	s5 =	simm.s32 $0x16400  }
0x119: {  	[tilespmem:s5], [sflag:$0x1] =	stream.indirect_vreg.gather [hbm4b:s2+s3], $0x80, v4, vm0, $0xb8;
	[tilespmem:$0x18400] =	vst v63  }
0x11a: {  	s10 =	simm.s32 $0x16C00  }
0x11b: {  	[tilespmem:s10], [sflag:$0x1] =	stream.indirect_vreg.gather [hbm4b:s2+s3], $0x80, v3, vm0, $0xb8;
	[tilespmem:$0x18400] =	vst v63  }
0x11c: {  	v3 =	vld [tilespmem:$0x370];
	_ =	sdelay $0x4  }
0x11d: {  	v55 =	vshll.u32 v3, $0x1  }
0x11e: {  	v3 =	vand.u32 $0x7, v3;
	v4 =	vand.u32 $0xFFFFFFF0, v55  }
0x11f: {  	v3 =	vor.u32 v3, v4  }
0x120: {  	v4 =	vperm.xlane v3, v0;
	_ =	sdelay $0x1  }
0x121: {  	v3 =	vperm.xlane v3, v2;
	v4 =	vadd.s32 v1, v4;
	_ =	sdelay $0x1  }
0x122: {  	v3 =	vadd.s32 v1, v3;
	_ =	sdelay $0x1  }
0x123: {  	s5 =	simm.s32 $0x17400  }
0x124: {  	[tilespmem:s5], [sflag:$0x1] =	stream.indirect_vreg.gather [hbm4b:s2+s3], $0x80, v4, vm0, $0xb8;
	[tilespmem:$0x18400] =	vst v63  }
0x125: {  	s10 =	simm.s32 $0x17C00  }
0x126: {  	[tilespmem:s10], [sflag:$0x1] =	stream.indirect_vreg.gather [hbm4b:s2+s3], $0x80, v3, vm0, $0xb8;
	[tilespmem:$0x18400] =	vst v63  }
0x127: {  	_ =	swait.ge [sflag:s30], $0x8000  }
0x128: {  	[sflag:s30] =	ssyncset.done $0x0  }
0x129: {  	[sflag:s30] =	ssyncadd.s32 $0xFFFF8000  }
0x12a: {  	[hbm4b:s6+s3] =	stream.linear.scatter [tilespmem:s29], [sflag:$0x2], $0x8000, $0x38;
	[tilespmem:$0x18400] =	vst v63  }
0x12b: {  	_ =	swait.ge [sflag:s0], $0x8000  }
0x12c: {  	[sflag:s0] =	ssyncset.done $0x0  }
0x12d: {  	[sflag:s0] =	ssyncadd.s32 $0xFFFF8000  }
0x12e: {  	v3 =	vld [tilespmem:$0x380];
	_ =	sdelay $0x4  }
0x12f: {  	v56 =	vshll.u32 v3, $0x1  }
0x130: {  	v3 =	vand.u32 $0x7, v3;
	v4 =	vand.u32 $0xFFFFFFF0, v56  }
0x131: {  	v3 =	vor.u32 v3, v4  }
0x132: {  	v4 =	vperm.xlane v3, v0;
	_ =	sdelay $0x1  }
0x133: {  	v3 =	vperm.xlane v3, v2;
	v4 =	vadd.s32 v1, v4;
	_ =	sdelay $0x1  }
0x134: {  	v3 =	vadd.s32 v1, v3;
	_ =	sdelay $0x2  }
0x135: {  	[tilespmem:s11], [sflag:$0x1] =	stream.indirect_vreg.gather [hbm4b:s2+s3], $0x80, v4, vm0, $0xb8;
	[tilespmem:$0x18400] =	vst v63  }
0x136: {  	_ = 	snop  }
0x137: {  	[tilespmem:s13], [sflag:$0x1] =	stream.indirect_vreg.gather [hbm4b:s2+s3], $0x80, v3, vm0, $0xb8;
	[tilespmem:$0x18400] =	vst v63  }
0x138: {  	v3 =	vld [tilespmem:$0x390];
	_ =	sdelay $0x4  }
0x139: {  	v57 =	vshll.u32 v3, $0x1  }
0x13a: {  	v3 =	vand.u32 $0x7, v3;
	v4 =	vand.u32 $0xFFFFFFF0, v57  }
0x13b: {  	v3 =	vor.u32 v3, v4  }
0x13c: {  	v4 =	vperm.xlane v3, v0;
	_ =	sdelay $0x1  }
0x13d: {  	v3 =	vperm.xlane v3, v2;
	v4 =	vadd.s32 v1, v4;
	_ =	sdelay $0x1  }
0x13e: {  	v3 =	vadd.s32 v1, v3;
	_ =	sdelay $0x2  }
0x13f: {  	[tilespmem:s14], [sflag:$0x1] =	stream.indirect_vreg.gather [hbm4b:s2+s3], $0x80, v4, vm0, $0xb8;
	[tilespmem:$0x18400] =	vst v63  }
0x140: {  	_ = 	snop  }
0x141: {  	[tilespmem:s15], [sflag:$0x1] =	stream.indirect_vreg.gather [hbm4b:s2+s3], $0x80, v3, vm0, $0xb8;
	[tilespmem:$0x18400] =	vst v63  }
0x142: {  	v3 =	vld [tilespmem:$0x3A0];
	_ =	sdelay $0x4  }
0x143: {  	v58 =	vshll.u32 v3, $0x1  }
0x144: {  	v3 =	vand.u32 $0x7, v3;
	v4 =	vand.u32 $0xFFFFFFF0, v58  }
0x145: {  	v3 =	vor.u32 v3, v4  }
0x146: {  	v4 =	vperm.xlane v3, v0;
	_ =	sdelay $0x1  }
0x147: {  	v3 =	vperm.xlane v3, v2;
	v4 =	vadd.s32 v1, v4;
	_ =	sdelay $0x1  }
0x148: {  	v3 =	vadd.s32 v1, v3;
	_ =	sdelay $0x2  }
0x149: {  	[tilespmem:s16], [sflag:$0x1] =	stream.indirect_vreg.gather [hbm4b:s2+s3], $0x80, v4, vm0, $0xb8;
	[tilespmem:$0x18400] =	vst v63  }
0x14a: {  	_ = 	snop  }
0x14b: {  	[tilespmem:s17], [sflag:$0x1] =	stream.indirect_vreg.gather [hbm4b:s2+s3], $0x80, v3, vm0, $0xb8;
	[tilespmem:$0x18400] =	vst v63  }
0x14c: {  	v3 =	vld [tilespmem:$0x3B0];
	_ =	sdelay $0x4  }
0x14d: {  	v59 =	vshll.u32 v3, $0x1  }
0x14e: {  	v3 =	vand.u32 $0x7, v3;
	v4 =	vand.u32 $0xFFFFFFF0, v59  }
0x14f: {  	v3 =	vor.u32 v3, v4  }
0x150: {  	v4 =	vperm.xlane v3, v0;
	_ =	sdelay $0x1  }
0x151: {  	v3 =	vperm.xlane v3, v2;
	v4 =	vadd.s32 v1, v4;
	_ =	sdelay $0x1  }
0x152: {  	v3 =	vadd.s32 v1, v3;
	_ =	sdelay $0x2  }
0x153: {  	[tilespmem:s18], [sflag:$0x1] =	stream.indirect_vreg.gather [hbm4b:s2+s3], $0x80, v4, vm0, $0xb8;
	[tilespmem:$0x18400] =	vst v63  }
0x154: {  	_ = 	snop  }
0x155: {  	[tilespmem:s19], [sflag:$0x1] =	stream.indirect_vreg.gather [hbm4b:s2+s3], $0x80, v3, vm0, $0xb8;
	[tilespmem:$0x18400] =	vst v63  }
0x156: {  	v3 =	vld [tilespmem:$0x3C0];
	_ =	sdelay $0x4  }
0x157: {  	v60 =	vshll.u32 v3, $0x1  }
0x158: {  	v3 =	vand.u32 $0x7, v3;
	v4 =	vand.u32 $0xFFFFFFF0, v60  }
0x159: {  	v3 =	vor.u32 v3, v4  }
0x15a: {  	v4 =	vperm.xlane v3, v0;
	_ =	sdelay $0x1  }
0x15b: {  	v3 =	vperm.xlane v3, v2;
	v4 =	vadd.s32 v1, v4;
	_ =	sdelay $0x1  }
0x15c: {  	v3 =	vadd.s32 v1, v3;
	_ =	sdelay $0x2  }
0x15d: {  	[tilespmem:s20], [sflag:$0x1] =	stream.indirect_vreg.gather [hbm4b:s2+s3], $0x80, v4, vm0, $0xb8;
	[tilespmem:$0x18400] =	vst v63  }
0x15e: {  	_ = 	snop  }
0x15f: {  	[tilespmem:s21], [sflag:$0x1] =	stream.indirect_vreg.gather [hbm4b:s2+s3], $0x80, v3, vm0, $0xb8;
	[tilespmem:$0x18400] =	vst v63  }
0x160: {  	v3 =	vld [tilespmem:$0x3D0];
	_ =	sdelay $0x4  }
0x161: {  	v61 =	vshll.u32 v3, $0x1  }
0x162: {  	v3 =	vand.u32 $0x7, v3;
	v4 =	vand.u32 $0xFFFFFFF0, v61  }
0x163: {  	v3 =	vor.u32 v3, v4  }
0x164: {  	v4 =	vperm.xlane v3, v0;
	_ =	sdelay $0x1  }
0x165: {  	v3 =	vperm.xlane v3, v2;
	v4 =	vadd.s32 v1, v4;
	_ =	sdelay $0x1  }
0x166: {  	v3 =	vadd.s32 v1, v3;
	_ =	sdelay $0x2  }
0x167: {  	[tilespmem:s22], [sflag:$0x1] =	stream.indirect_vreg.gather [hbm4b:s2+s3], $0x80, v4, vm0, $0xb8;
	[tilespmem:$0x18400] =	vst v63  }
0x168: {  	_ = 	snop  }
0x169: {  	[tilespmem:s23], [sflag:$0x1] =	stream.indirect_vreg.gather [hbm4b:s2+s3], $0x80, v3, vm0, $0xb8;
	[tilespmem:$0x18400] =	vst v63  }
0x16a: {  	v3 =	vld [tilespmem:$0x3E0];
	_ =	sdelay $0x4  }
0x16b: {  	v62 =	vshll.u32 v3, $0x1  }
0x16c: {  	v3 =	vand.u32 $0x7, v3;
	v4 =	vand.u32 $0xFFFFFFF0, v62  }
0x16d: {  	v3 =	vor.u32 v3, v4  }
0x16e: {  	v4 =	vperm.xlane v3, v0;
	_ =	sdelay $0x1  }
0x16f: {  	v3 =	vperm.xlane v3, v2;
	v4 =	vadd.s32 v1, v4;
	_ =	sdelay $0x1  }
0x170: {  	v3 =	vadd.s32 v1, v3;
	_ =	sdelay $0x2  }
0x171: {  	[tilespmem:s24], [sflag:$0x1] =	stream.indirect_vreg.gather [hbm4b:s2+s3], $0x80, v4, vm0, $0xb8;
	[tilespmem:$0x18400] =	vst v63  }
0x172: {  	_ = 	snop  }
0x173: {  	[tilespmem:s25], [sflag:$0x1] =	stream.indirect_vreg.gather [hbm4b:s2+s3], $0x80, v3, vm0, $0xb8;
	[tilespmem:$0x18400] =	vst v63  }
0x174: {  	v3 =	vld [tilespmem:$0x3F0];
	_ =	sdelay $0x4  }
0x175: {  	v63 =	vshll.u32 v3, $0x1  }
0x176: {  	v3 =	vand.u32 $0x7, v3;
	v4 =	vand.u32 $0xFFFFFFF0, v63  }
0x177: {  	v3 =	vor.u32 v3, v4  }
0x178: {  	v4 =	vperm.xlane v3, v0;
	_ =	sdelay $0x1  }
0x179: {  	v3 =	vperm.xlane v3, v2;
	v4 =	vadd.s32 v1, v4;
	_ =	sdelay $0x1  }
0x17a: {  	v3 =	vadd.s32 v1, v3;
	_ =	sdelay $0x2  }
0x17b: {  	[tilespmem:s26], [sflag:$0x1] =	stream.indirect_vreg.gather [hbm4b:s2+s3], $0x80, v4, vm0, $0xb8;
	[tilespmem:$0x18400] =	vst v63  }
0x17c: {  	_ = 	snop  }
0x17d: {  	[tilespmem:s28], [sflag:$0x1] =	stream.indirect_vreg.gather [hbm4b:s2+s3], $0x80, v3, vm0, $0xb8;
	[tilespmem:$0x18400] =	vst v63  }
0x17e: {  	_ =	swait.ge [sflag:s30], $0x8000  }
0x17f: {  	[sflag:s30] =	ssyncset.done $0x0  }
0x180: {  	[sflag:s30] =	ssyncadd.s32 $0xFFFF8000  }
0x181: {  	[hbm4b:s7+s3] =	stream.linear.scatter [tilespmem:s31], [sflag:$0x2], $0x8000, $0x38;
	[tilespmem:$0x18400] =	vst v63  }
0x182: {  	_ =	swait.ge [sflag:s30], $0x8000  }
0x183: {  	[sflag:s30] =	ssyncset.done $0x0  }
0x184: {  	[sflag:s30] =	ssyncadd.s32 $0xFFFF8000  }
0x185: {  	[hbm4b:s8+s3] =	stream.linear.scatter [tilespmem:s11], [sflag:$0x2], $0x8000, $0x38;
	[tilespmem:$0x18400] =	vst v63  }
0x186: {  	_ =	swait.ge [sflag:s0], $0x8000  }
0x187: {  	[sflag:s0] =	ssyncset.done $0x0  }
0x188: {  	s1 =	sadd.s32 $0x1, s1;
	[sflag:s0] =	ssyncadd.s32 $0xFFFF8000  }
0x189: {  	p0 =	sne.s32 s1, s9;
	_ =	swait.ge [sflag:s0], $0x8000  }
.Ltmp1:
0x18a: {  	[sflag:s0] =	ssyncset.done $0x0;
	(pc) =	sbr.rel @p0 .LBB2_1-.Ltmp1, $4  }
0x18b: {  	[sflag:s0] =	ssyncadd.s32 $0xFFFF8000  }
0x18c: {  	_ =	swait.ge [sflag:s0], $0x8000  }
0x18d: {  	[sflag:s0] =	ssyncset.done $0x0  }
0x18e: {  	[sflag:s0] =	ssyncadd.s32 $0xFFFF8000  }
0x18f: {  	_ =	sfence.sel $0x180000  }
0x190: {  	[bflag:$0x0] =	sbarrier.arrive $0xFFFF  }
0x191: {  	_ =	strace $0x90000047  }
0x192: {  	s0 =	stileid.u32;
	[bflag:$0x2] =	sbarrier.arrive $0xFFFF  }
0x193: {  	p0 =	sne.s32 s0, $0x0;
	s0 =	rddreg [dreg:$0x3]  }
0x194: {  	s0 =	sadd.s32 @!p0 $0x100000, s0  }
0x195: {  	[sflag:s0] =	ssyncadd.tile.s32 @!p0 $0x1;
	_ =	shalt  }
.Lfunc_end2:
_tile_overlayer_lowered:
.L_overlay_start_2:
0x196: {  	(tag) =	ssettag $0x2  }
0x197: {  	s0 =	rddreg [dreg:$0x0];
	s2 =	stileid.u32  }
0x198: {  	s1 =	rddreg [dreg:$0x1];
	p0 =	sne.s32 s2, $0x0  }
0x199: {  	s3 =	rddreg [dreg:$0x2];
	[bflag:$0x3] =	sbarrier.arrive $0xFFFF;
	s2 =	simm.s32 @!p0 $0x1C03  }
0x19a: {  	[timem:s3], [sflag:s2] =	dma.local @!p0 [hbm:s0], s1  }
0x19b: {  	s0 =	simm.s32 @!p0 $0x3  }
0x19c: {  	_ =	swait.ge @!p0 [sflag:s0], s1  }
0x19d: {  	s1 =	ssub.s32 @!p0 $0x0, s1;
	[sflag:s0] =	ssyncset.done @!p0 $0x0  }
0x19e: {  	[sflag:s0] =	ssyncadd.s32 @!p0 s1  }
0x19f: {  	[bflag:$0x3] =	sbarrier.arrive $0xFFFF  }
0x1a0: {  	_ =	shalt  }

// kernel: kernel.9.cloned.1.call-start
scs
__scs_entry_jumppad:
0x0: {  	(pc) =	sbr.rel $0x88, $3  }
0x1: {  	(tag) =	ssettag $0x0;
	lr =	simm.s32 $0x1  }
0x2: {  	[smem:$0x3F99] =	sst lr;
	_ =	strace $0xD0000000  }
0x3: {  	_ = 	snop  }
0x4: {  	_ = 	snop  }
0x5: {  	_ = 	snop  }
0x6: {  	_ = 	snop  }
0x7: {  	_ = 	snop  }
__scs_overlays_trampoline_lowered:
0x8: {  	[smem:$0x3FA8] =	sst s0  }
0x9: {  	[smem:$0x3FA9] =	sst s1  }
0xa: {  	[smem:$0x3FAA] =	sst s2  }
0xb: {  	[smem:$0x3FAB] =	sst s3  }
0xc: {  	[smem:$0x3FAC] =	sst s4  }
0xd: {  	[smem:$0x3FAD] =	sst s5  }
0xe: {  	[smem:$0x3FAE] =	sst s6  }
0xf: {  	[smem:$0x3FAF] =	sst s7  }
0x10: {  	[smem:$0x3FB0] =	sst s8  }
0x11: {  	[smem:$0x3FB1] =	sst s9;
	s0 =	simm.s32 @!p0 $0x0  }
0x12: {  	s1 =	sld [smem:$0x3F97];
	s0 =	simm.s32 @p0 $0x1  }
0x13: {  	[smem:$0x3FB2] =	sst s0;
	s0 =	simm.s32 @!p1 $0x0  }
0x14: {  	s2 =	sld [smem:$0x3F96];
	s0 =	simm.s32 @p1 $0x1  }
0x15: {  	[smem:$0x3FB3] =	sst s0;
	s0 =	simm.s32 @!p2 $0x0  }
0x16: {  	s3 =	sld [smem:$0x3FDB];
	s0 =	simm.s32 @p2 $0x1  }
0x17: {  	s4 =	simm.s32 $0x1BF5;
	[smem:$0x3FB5] =	sst s0  }
0x18: {  	s0 =	sld [smem:$0x3F98];
	_ =	swait.ge [sflag:s4], $0x0  }
0x19: {  	s7 =	sld [smem:$0x3F99]  }
0x1a: {  	s8 =	sadd.s32 $0xFFFFE003, lr  }
0x1b: {  	s9 =	sadd.s32 $0xFFFFFEF7, lr;
	s5 =	simm.s32 $0xFFFFFFFF;
	p2 =	slt.u32 s8, $0xFFFFF086  }
0x1c: {  	p1 =	slt.u32 s9, $0xF7A;
	s5 =	simm.s32 @!p2 $0x0  }
0x1d: {  	s5 =	simm.s32 @p1 $0x1;
	p0 =	seq.s32 s7, s2  }
0x1e: {  	s7 =	smul.u32 @!p0 $0xF7A, s2;
	p2 =	seq.s32 @!p0 s5, $0x0  }
0x1f: {  	s9 =	smul.u32 $0xF7A, s1;
	s8 =	simm.s32 @!p0 $0x1BF5;
	p2 =	por !p2, p0  }
0x20: {  	[sflag:s8] =	ssyncset.s32 @!p0 $0xFFFFF086;
	s6 =	sadd.s32 @!p0 s3, s7;
	s7 =	simm.s32 @!p0 $0x108  }
0x21: {  	s3 =	sadd.s32 s3, s9;
	s6 =	sadd.s32 @!p0 $0x88, s6;
	s7 =	simm.s32 @p2 $0x1082  }
0x22: {  	[simem:s7], [sflag:s8] =	dma.local @!p0 [hbm:s6], $0xF7A  }
0x23: {  	s9 =	sor.u32 $0xD0000000, s2;
	s6 =	simm.s32 $0x108;
	_ =	swait.ge @!p0 [sflag:s8], $0x0  }
0x24: {  	s3 =	sadd.s32 $0x88, s3;
	s6 =	simm.s32 @!p1 $0x1082;
	[sflag:s4] =	ssyncset.s32 $0xFFFFF086  }
0x25: {  	[simem:s6], [sflag:s4] =	dma.local [hbm:s3], $0xF7A  }
0x26: {  	[smem:$0x3F99] =	sst s1;
	(tag) =	ssettag s2;
	_ =	strace s9  }
0x27: {  	s1 =	sld [smem:$0x3FA9]  }
0x28: {  	s2 =	sld [smem:$0x3FAA]  }
0x29: {  	s4 =	sld [smem:$0x3FAC]  }
0x2a: {  	p0 =	seq.s32 s5, $0x0;
	s5 =	sld [smem:$0x3FAD]  }
0x2b: {  	s6 =	sld [smem:$0x3FAE]  }
0x2c: {  	s7 =	sld [smem:$0x3FAF]  }
0x2d: {  	s3 =	simm.s32 $0x108;
	s8 =	sld [smem:$0x3FB0]  }
0x2e: {  	s3 =	simm.s32 @!p0 $0x1082;
	s9 =	sld [smem:$0x3FB1]  }
0x2f: {  	lr =	sadd.s32 s0, s3;
	s0 =	sld [smem:$0x3FA8]  }
0x30: {  	s3 =	sld [smem:$0x3FAB]  }
0x31: {  	[smem:$0x3FB4] =	sst s10  }
0x32: {  	s10 =	sld [smem:$0x3FB2];
	_ =	sdelay $0x3  }
0x33: {  	p0 =	seq.s32 s10, $0x1;
	s10 =	sld [smem:$0x3FB4];
	_ =	sdelay $0x3  }
0x34: {  	[smem:$0x3FB4] =	sst s10  }
0x35: {  	s10 =	sld [smem:$0x3FB3];
	_ =	sdelay $0x3  }
0x36: {  	p1 =	seq.s32 s10, $0x1;
	s10 =	sld [smem:$0x3FB4];
	_ =	sdelay $0x3  }
0x37: {  	[smem:$0x3FB4] =	sst s10  }
0x38: {  	s10 =	sld [smem:$0x3FB5]  }
0x39: {  	_ = 	snop;
	(pc) =	sbr.ind lr, $3  }
0x3a: {  	_ = 	snop  }
0x3b: {  	_ = 	snop  }
0x3c: {  	p2 =	seq.s32 s10, $0x1;
	s10 =	sld [smem:$0x3FB4]  }
0x3d: {  	_ =	shalt  }
0x3e: {  	_ =	shalt  }
0x3f: {  	_ =	shalt  }
0x40: {  	_ =	shalt  }
0x41: {  	_ =	shalt  }
0x42: {  	_ =	shalt  }
0x43: {  	_ =	shalt  }
0x44: {  	_ =	shalt  }
0x45: {  	_ =	shalt  }
0x46: {  	_ =	shalt  }
0x47: {  	_ =	shalt  }
0x48: {  	_ =	shalt  }
0x49: {  	_ =	shalt  }
0x4a: {  	_ =	shalt  }
0x4b: {  	_ =	shalt  }
0x4c: {  	_ =	shalt  }
0x4d: {  	_ =	shalt  }
0x4e: {  	_ =	shalt  }
0x4f: {  	_ =	shalt  }
0x50: {  	_ =	shalt  }
0x51: {  	_ =	shalt  }
0x52: {  	_ =	shalt  }
0x53: {  	_ =	shalt  }
0x54: {  	_ =	shalt  }
0x55: {  	_ =	shalt  }
0x56: {  	_ =	shalt  }
0x57: {  	_ =	shalt  }
0x58: {  	_ =	shalt  }
0x59: {  	_ =	shalt  }
0x5a: {  	_ =	shalt  }
0x5b: {  	_ =	shalt  }
0x5c: {  	_ =	shalt  }
0x5d: {  	_ =	shalt  }
0x5e: {  	_ =	shalt  }
0x5f: {  	_ =	shalt  }
0x60: {  	_ =	shalt  }
0x61: {  	_ =	shalt  }
0x62: {  	_ =	shalt  }
0x63: {  	_ =	shalt  }
0x64: {  	_ =	shalt  }
0x65: {  	_ =	shalt  }
0x66: {  	_ =	shalt  }
0x67: {  	_ =	shalt  }
0x68: {  	_ =	shalt  }
0x69: {  	_ =	shalt  }
0x6a: {  	_ =	shalt  }
0x6b: {  	_ =	shalt  }
0x6c: {  	_ =	shalt  }
0x6d: {  	_ =	shalt  }
0x6e: {  	_ =	shalt  }
0x6f: {  	_ =	shalt  }
0x70: {  	_ =	shalt  }
0x71: {  	_ =	shalt  }
0x72: {  	_ =	shalt  }
0x73: {  	_ =	shalt  }
0x74: {  	_ =	shalt  }
0x75: {  	_ =	shalt  }
0x76: {  	_ =	shalt  }
0x77: {  	_ =	shalt  }
0x78: {  	_ =	shalt  }
0x79: {  	_ =	shalt  }
0x7a: {  	_ =	shalt  }
0x7b: {  	_ =	shalt  }
0x7c: {  	_ =	shalt  }
0x7d: {  	_ =	shalt  }
0x7e: {  	_ =	shalt  }
0x7f: {  	_ =	shalt  }
0x80: {  	_ =	shalt  }
0x81: {  	_ =	shalt  }
0x82: {  	_ =	shalt  }
0x83: {  	_ =	shalt  }
0x84: {  	_ =	shalt  }
0x85: {  	_ =	shalt  }
0x86: {  	_ =	shalt  }
0x87: {  	_ =	shalt  }
.Lfunc_end0:
.L_simem_size_0:
called_computation.1_lowered:
.L_overlay_start_0:
0x88: {  	s2 =	sld [smem:$0x3FD9]  }
0x89: {  	s3 =	sld [smem:$0x3FFE];
	_ =	sdelay $0x1  }
0x8a: {  	s1 =	srdreg.scid  }
0x8b: {  	s0 =	sand.u32 $0x1, s1  }
0x8c: {  	s17 =	sshll.u32 s0, $0xA;
	s2 =	sadd.s32 s3, s2  }
0x8d: {  	s2 =	sadd.s32 s2, s17  }
0x8e: {  	[smem:$0x3FC0] =	sst s2  }
0x8f: {  	_ = 	snop  }
0x90: {  	s18 =	sld [smem:$0x3FC9]  }
0x91: {  	s4 =	sld [smem:$0x3FC8];
	(tm) =	ssettm $0x1  }
0x92: {  	s19 =	sld [smem:$0x3FFB];
	_ =	sdelay $0x3  }
0x93: {  	_ =	strace s19  }
0x94: {  	s2 =	sld [smem:$0x3FFC];
	_ =	sdelay $0x3  }
0x95: {  	_ =	strace s2  }
0x96: {  	s2 =	sld [smem:$0x3FFD];
	_ =	sdelay $0x3  }
0x97: {  	_ =	strace s2  }
0x98: {  	_ =	strace $0x8FFFFFFF  }
0x99: {  	s20 =	sld [smem:$0x3FDB];
	_ =	sdelay $0x1  }
0x9a: {  	s5 =	simm.s32 $_scs_section_size  }
0x9b: {  	s6 =	simm.s32 $_size__tile_overlayer_lowered;
	s7 =	simm.s32 $_tile_overlayer_lowered  }
0x9c: {  	s8 =	simm.s32 $0x1BFF;
	s21 =	sshll.u32 s7, $0x1;
	s5 =	sadd.s32 s5, s20  }
0x9d: {  	s22 =	simm.s32 $0x0;
	s6 =	sshll.u32 s6, $0x1;
	s7 =	sadd.s32 s21, s5  }
0x9e: {  	[timem:s22], [sflag:s8] =	dma.local [hbm:s7], s6  }
0x9f: {  	_ =	swait.ge [sflag:s8], s6  }
0xa0: {  	s6 =	ssub.s32 $0x0, s6;
	[sflag:s8] =	ssyncset.done $0x0  }
0xa1: {  	[sflag:s8] =	ssyncadd.s32 s6;
	_ =	sdelay $0x1  }
0xa2: {  	s23 =	simm.s32 $0x1B8B  }
0xa3: {  	_ =	swait.ge [sflag:s23], $0x1  }
0xa4: {  	[sflag:s23] =	ssyncset.done $0x0  }
0xa5: {  	[sflag:s23] =	ssyncadd.s32 $0xFFFFFFFF  }
0xa6: {  	s6 =	sld [smem:$0x0]  }
0xa7: {  	s7 =	sand.u32 $0xFFFFFFFE, s1  }
0xa8: {  	p0 =	sne.s32 s1, s7  }
0xa9: {  	s7 =	sshll.u32 @p0 s7, $0xE  }
0xaa: {  	s7 =	sadd.s32 @p0 $0x11B8D, s7;
	s8 =	sshll.u32 @p0 s6, $0x11  }
0xab: {  	s7 =	sor.u32 @p0 s8, s7  }
0xac: {  	[sflag:s7] =	ssyncadd.remote.s32 @p0 $0x1;
	_ =	sdelay $0x1  }
0xad: {  	s7 =	simm.s32 @p0 $0x1B8D  }
0xae: {  	_ =	swait.eq @p0 [sflag:s7], $0x1  }
0xaf: {  	[sflag:s7] =	ssyncadd.s32 @p0 $0xFFFFFFFF  }
0xb0: {  	s8 =	sshll.u32 @!p0 s1, $0xE  }
0xb1: {  	s8 =	sor.u32 @!p0 $0x4000, s8;
	s7 =	simm.s32 @!p0 $0x1B8D  }
0xb2: {  	s6 =	sshll.u32 @!p0 s6, $0x11;
	s8 =	sadd.s32 @!p0 $0x11B8D, s8;
	_ =	swait.eq @!p0 [sflag:s7], $0x1  }
0xb3: {  	s6 =	sor.u32 @!p0 s6, s8;
	[sflag:s7] =	ssyncadd.s32 @!p0 $0xFFFFFFFF  }
0xb4: {  	s25 =	simm.s32 $0x1B8E;
	s24 =	sld [smem:$0x3FFE];
	[sflag:s6] =	ssyncadd.remote.s32 @!p0 $0x1  }
0xb5: {  	s26 =	simm.s32 $execute0_lowered;
	[smem:$0x3FD2] =	sst s25  }
0xb6: {  	s7 =	sshll.u32 s26, $0x1;
	_ =	strace $0x80000049;
	[dreg:$0x1] =	wrdreg $0xFFFFFFFF  }
0xb7: {  	s28 =	simm.s32 $_size_execute0_lowered;
	s5 =	sadd.s32 s5, s7;
	[dreg:$0x0] =	wrdreg $0x0  }
0xb8: {  	s7 =	sshll.u32 s28, $0x1;
	[dreg:$0x2] =	wrdreg s5  }
0xb9: {  	[dreg:$0x3] =	wrdreg s7  }
0xba: {  	[dreg:$0x4] =	wrdreg $0xC0  }
0xbb: {  	_ =	task [dreg:s22], $0x5FFFF  }
0xbc: {  	[dreg:$0x1] =	wrdreg $0xFFFFFFFF  }
0xbd: {  	[dreg:$0x0] =	wrdreg $0x60  }
0xbe: {  	[dreg:$0x2] =	wrdreg s4  }
0xbf: {  	[dreg:$0x3] =	wrdreg s18  }
0xc0: {  	[dreg:$0x4] =	wrdreg s24  }
0xc1: {  	[dreg:$0x5] =	wrdreg $0xA  }
0xc2: {  	_ =	task.clear_ibuf [dreg:s22], $0x6FFFF;
	_ =	strace $0x90000049  }
0xc3: {  	s29 =	simm.s32 $0xA;
	_ =	strace $0x8000004B  }
0xc4: {  	_ =	swait.ge [sflag:s29], $0x1  }
0xc5: {  	[sflag:s29] =	ssyncadd.s32 $0xFFFFFFFF  }
0xc6: {  	_ =	strace $0x9000004B  }
0xc7: {  	_ =	sfence  }
0xc8: {  	s30 =	sld [smem:$0x0];
	_ =	sdelay $0x2  }
0xc9: {  	s31 =	sshll.u32 s1, $0xD;
	s1 =	sshrl.u32 s1, $0x2  }
0xca: {  	s4 =	sand.u32 $0x4000, s31;
	s1 =	sadd.s32 s1, s30  }
0xcb: {  	s0 =	sor.u32 s4, s0;
	s1 =	sshll.u32 s1, $0x11  }
0xcc: {  	s0 =	sor.u32 s1, s0  }
0xcd: {  	s0 =	sadd.s32 $0x8F2B, s0  }
0xce: {  	[sflag:s0] =	ssyncadd.remote.s32 $0x1  }
0xcf: {  	_ =	sfence.sel $0xFFFF  }
0xd0: {  	[dreg:$0x0] =	wrdreg $0xFFFFFFFF;
	(pc) =	sbr.abs _section_cstart, $3  }
0xd1: {  	[dreg:$0x1] =	wrdreg $0xFFFFFFFF  }
0xd2: {  	_ =	task.clear_ibuf [dreg:s22], $0x2FFFF;
	_ =	strace $0x9FFFFFFF  }
0xd3: {  	(tm) =	ssettm $0x7FFFFFFF  }
tec
execute0_lowered:
.L_overlay_start_1:
0x0: {  	(tag) =	ssettag $0x1  }
0x1: {  	s1 =	rddreg [dreg:$0x0];
	s0 =	srdreg.scid  }
0x2: {  	s2 =	rddreg [dreg:$0x1];
	s6 =	stileid.u32  }
0x3: {  	s4 =	rddreg [dreg:$0x2];
	s11 =	simm.s32 $0x400;
	s12 =	simm.s32 $0x3  }
0x4: {  	s13 =	simm.s32 $0xC00;
	s14 =	simm.s32 $0x1400;
	s15 =	simm.s32 $0x1C00  }
0x5: {  	s16 =	simm.s32 $0x2400;
	s17 =	simm.s32 $0x2C00;
	s18 =	simm.s32 $0x3400  }
0x6: {  	s19 =	simm.s32 $0x3C00;
	s20 =	simm.s32 $0x4400;
	s21 =	simm.s32 $0x4C00  }
0x7: {  	s22 =	simm.s32 $0x5400;
	s23 =	simm.s32 $0x5C00;
	s24 =	simm.s32 $0x6400  }
0x8: {  	s28 =	simm.s32 $0x7C00;
	s29 =	simm.s32 $0x8400;
	s30 =	simm.s32 $0x1  }
0x9: {  	s0 =	sand.u32 $0x1, s0;
	s3 =	sshll.u32 s6, $0xA;
	s6 =	sshrl.u32 s6, $0x3  }
0xa: {  	s31 =	simm.s32 $0x10400;
	s5 =	sshll.u32 s0, $0x9;
	s8 =	sshll.u32 s6, $0x10  }
0xb: {  	s6 =	sshll.u32 s6, $0x7;
	s0 =	ssub.s32 $0x2, s0;
	s5 =	sor.u32 s5, s3  }
0xc: {  	s3 =	simm.s32 $0x0;
	s25 =	sshrl.u32 s0, $0x1;
	s7 =	sshll.u32 s5, $0x3  }
0xd: {  	[smem:$0x7FF] =	sst s3;
	s5 =	sshll.u32 s5, $0x5;
	s0 =	ssub.s32 s0, s25  }
0xe: {  	s25 =	simm.s32 $0x6C00;
	s7 =	ssub.s32 s7, s8;
	_ =	strace $0x8000004A  }
0xf: {  	s4 =	sadd.s32 s5, s4;
	s9 =	smax.u32 s0, $0x1;
	s6 =	sor.u32 s6, s7  }
0x10: {  	s0 =	simm.s32 $0x0;
	s26 =	sadd.s32 $0x81A00, s4;
	s6 =	sadd.s32 $0x10000, s6  }
0x11: {  	v2 =	vlaneseq.u32;
	s7 =	sadd.s32 $0x83A00, s4;
	s8 =	sadd.s32 $0x84A00, s4;
	s6 =	sshrl.u32 s6, $0x3  }
0x12: {  	vm0 =	vmmov $0xffff;
	v1 =	vshrl.u32 v2, $0x3;
	[dreg:$0x5] =	wrdreg s26;
	s26 =	simm.s32 $0x7400;
	s2 =	sadd.s32 s2, s6  }
0x13: {  	v0 =	vand.u32 $0x7, v2;
	v2 =	vor.u32 $0x8, v2;
	v1 =	vmul.u32 $0x8, v1;
	s6 =	sadd.s32 $0x82A00, s4;
	[dreg:$0x4] =	wrdreg s2;
	s2 =	simm.s32 $0x2  }
.LBB2_1:
0x14: {  	s4 =	rddreg [dreg:$0x4];
	s5 =	simm.s32 $0x80  }
0x15: {  	[tilespmem:s3], [sflag:$0x3] =	stream.strided.gather [hbm4b:s4+s5], $0x200, s11, s5, $0x38;
	[tilespmem:$0x18400] =	vst v63  }
0x16: {  	_ =	swait.ge [sflag:s12], $0x200  }
0x17: {  	[sflag:s12] =	ssyncset.done $0x0  }
0x18: {  	s10 =	simm.s32 $0x0;
	[sflag:s12] =	ssyncadd.s32 $0xFFFFFE00  }
0x19: {  	s4 =	simm.s32 $0x40;
	v3 =	vld [tilespmem:s10+$0x0]  }
.LBB2_2:
0x1a: {  	_ =	sdelay $0x1  }
0x1b: {  	p0 =	sne.s32 s4, $0x7C0  }
.Ltmp0:
0x1c: {  	_ = 	snop;
	(pc) =	sbr.rel @p0 .LBB2_2-.Ltmp0, $4  }
0x1d: {  	v4 =	vtrunc.f32 v3  }
0x1e: {  	v4 =	vcvt.f32.s32 v4  }
0x1f: {  	s5 =	sshra.s32 s4, $0x2  }
0x20: {  	s4 =	sadd.s32 $0x40, s4;
	v3 =	vld [tilespmem:s5+$0x0];
	[tilespmem:s10+$0x200] =	vst v4;
	s10 =	smov.u32 s5  }
0x21: {  	_ =	sdelay $0x3  }
0x22: {  	v3 =	vtrunc.f32 v3  }
0x23: {  	v3 =	vcvt.f32.s32 v3;
	_ =	sdelay $0x1  }
0x24: {  	[tilespmem:s10+$0x200] =	vst v3  }
0x25: {  	v3 =	vld [tilespmem:$0x200];
	_ =	sdelay $0x4  }
0x26: {  	v4 =	vshll.u32 v3, $0x1  }
0x27: {  	v3 =	vand.u32 $0x7, v3;
	v4 =	vand.u32 $0xFFFFFFF0, v4  }
0x28: {  	v3 =	vor.u32 v3, v4  }
0x29: {  	v4 =	vperm.xlane v3, v0;
	_ =	sdelay $0x1  }
0x2a: {  	v3 =	vperm.xlane v3, v2;
	v4 =	vadd.s32 v1, v4;
	_ =	sdelay $0x1  }
0x2b: {  	v3 =	vadd.s32 v1, v3;
	_ =	sdelay $0x2  }
0x2c: {  	[tilespmem:s11], [sflag:$0x1] =	stream.indirect_vreg.gather [hbm4b:s1+s3], $0x80, v4, vm0, $0xb8;
	[tilespmem:$0x18400] =	vst v63  }
0x2d: {  	_ = 	snop  }
0x2e: {  	[tilespmem:s13], [sflag:$0x1] =	stream.indirect_vreg.gather [hbm4b:s1+s3], $0x80, v3, vm0, $0xb8;
	[tilespmem:$0x18400] =	vst v63  }
0x2f: {  	v3 =	vld [tilespmem:$0x210];
	_ =	sdelay $0x4  }
0x30: {  	v33 =	vshll.u32 v3, $0x1  }
0x31: {  	v3 =	vand.u32 $0x7, v3;
	v4 =	vand.u32 $0xFFFFFFF0, v33  }
0x32: {  	v3 =	vor.u32 v3, v4  }
0x33: {  	v4 =	vperm.xlane v3, v0;
	_ =	sdelay $0x1  }
0x34: {  	v3 =	vperm.xlane v3, v2;
	v4 =	vadd.s32 v1, v4;
	_ =	sdelay $0x1  }
0x35: {  	v3 =	vadd.s32 v1, v3;
	_ =	sdelay $0x2  }
0x36: {  	[tilespmem:s14], [sflag:$0x1] =	stream.indirect_vreg.gather [hbm4b:s1+s3], $0x80, v4, vm0, $0xb8;
	[tilespmem:$0x18400] =	vst v63  }
0x37: {  	_ = 	snop  }
0x38: {  	[tilespmem:s15], [sflag:$0x1] =	stream.indirect_vreg.gather [hbm4b:s1+s3], $0x80, v3, vm0, $0xb8;
	[tilespmem:$0x18400] =	vst v63  }
0x39: {  	v3 =	vld [tilespmem:$0x220];
	_ =	sdelay $0x4  }
0x3a: {  	v34 =	vshll.u32 v3, $0x1  }
0x3b: {  	v3 =	vand.u32 $0x7, v3;
	v4 =	vand.u32 $0xFFFFFFF0, v34  }
0x3c: {  	v3 =	vor.u32 v3, v4  }
0x3d: {  	v4 =	vperm.xlane v3, v0;
	_ =	sdelay $0x1  }
0x3e: {  	v3 =	vperm.xlane v3, v2;
	v4 =	vadd.s32 v1, v4;
	_ =	sdelay $0x1  }
0x3f: {  	v3 =	vadd.s32 v1, v3;
	_ =	sdelay $0x2  }
0x40: {  	[tilespmem:s16], [sflag:$0x1] =	stream.indirect_vreg.gather [hbm4b:s1+s3], $0x80, v4, vm0, $0xb8;
	[tilespmem:$0x18400] =	vst v63  }
0x41: {  	_ = 	snop  }
0x42: {  	[tilespmem:s17], [sflag:$0x1] =	stream.indirect_vreg.gather [hbm4b:s1+s3], $0x80, v3, vm0, $0xb8;
	[tilespmem:$0x18400] =	vst v63  }
0x43: {  	v3 =	vld [tilespmem:$0x230];
	_ =	sdelay $0x4  }
0x44: {  	v35 =	vshll.u32 v3, $0x1  }
0x45: {  	v3 =	vand.u32 $0x7, v3;
	v4 =	vand.u32 $0xFFFFFFF0, v35  }
0x46: {  	v3 =	vor.u32 v3, v4  }
0x47: {  	v4 =	vperm.xlane v3, v0;
	_ =	sdelay $0x1  }
0x48: {  	v3 =	vperm.xlane v3, v2;
	v4 =	vadd.s32 v1, v4;
	_ =	sdelay $0x1  }
0x49: {  	v3 =	vadd.s32 v1, v3;
	_ =	sdelay $0x2  }
0x4a: {  	[tilespmem:s18], [sflag:$0x1] =	stream.indirect_vreg.gather [hbm4b:s1+s3], $0x80, v4, vm0, $0xb8;
	[tilespmem:$0x18400] =	vst v63  }
0x4b: {  	_ = 	snop  }
0x4c: {  	[tilespmem:s19], [sflag:$0x1] =	stream.indirect_vreg.gather [hbm4b:s1+s3], $0x80, v3, vm0, $0xb8;
	[tilespmem:$0x18400] =	vst v63  }
0x4d: {  	v3 =	vld [tilespmem:$0x240];
	_ =	sdelay $0x4  }
0x4e: {  	v36 =	vshll.u32 v3, $0x1  }
0x4f: {  	v3 =	vand.u32 $0x7, v3;
	v4 =	vand.u32 $0xFFFFFFF0, v36  }
0x50: {  	v3 =	vor.u32 v3, v4  }
0x51: {  	v4 =	vperm.xlane v3, v0;
	_ =	sdelay $0x1  }
0x52: {  	v3 =	vperm.xlane v3, v2;
	v4 =	vadd.s32 v1, v4;
	_ =	sdelay $0x1  }
0x53: {  	v3 =	vadd.s32 v1, v3;
	_ =	sdelay $0x2  }
0x54: {  	[tilespmem:s20], [sflag:$0x1] =	stream.indirect_vreg.gather [hbm4b:s1+s3], $0x80, v4, vm0, $0xb8;
	[tilespmem:$0x18400] =	vst v63  }
0x55: {  	_ = 	snop  }
0x56: {  	[tilespmem:s21], [sflag:$0x1] =	stream.indirect_vreg.gather [hbm4b:s1+s3], $0x80, v3, vm0, $0xb8;
	[tilespmem:$0x18400] =	vst v63  }
0x57: {  	v3 =	vld [tilespmem:$0x250];
	_ =	sdelay $0x4  }
0x58: {  	v37 =	vshll.u32 v3, $0x1  }
0x59: {  	v3 =	vand.u32 $0x7, v3;
	v4 =	vand.u32 $0xFFFFFFF0, v37  }
0x5a: {  	v3 =	vor.u32 v3, v4  }
0x5b: {  	v4 =	vperm.xlane v3, v0;
	_ =	sdelay $0x1  }
0x5c: {  	v3 =	vperm.xlane v3, v2;
	v4 =	vadd.s32 v1, v4;
	_ =	sdelay $0x1  }
0x5d: {  	v3 =	vadd.s32 v1, v3;
	_ =	sdelay $0x2  }
0x5e: {  	[tilespmem:s22], [sflag:$0x1] =	stream.indirect_vreg.gather [hbm4b:s1+s3], $0x80, v4, vm0, $0xb8;
	[tilespmem:$0x18400] =	vst v63  }
0x5f: {  	_ = 	snop  }
0x60: {  	[tilespmem:s23], [sflag:$0x1] =	stream.indirect_vreg.gather [hbm4b:s1+s3], $0x80, v3, vm0, $0xb8;
	[tilespmem:$0x18400] =	vst v63  }
0x61: {  	v3 =	vld [tilespmem:$0x260];
	_ =	sdelay $0x4  }
0x62: {  	v38 =	vshll.u32 v3, $0x1  }
0x63: {  	v3 =	vand.u32 $0x7, v3;
	v4 =	vand.u32 $0xFFFFFFF0, v38  }
0x64: {  	v3 =	vor.u32 v3, v4  }
0x65: {  	v4 =	vperm.xlane v3, v0;
	_ =	sdelay $0x1  }
0x66: {  	v3 =	vperm.xlane v3, v2;
	v4 =	vadd.s32 v1, v4;
	_ =	sdelay $0x1  }
0x67: {  	v3 =	vadd.s32 v1, v3;
	_ =	sdelay $0x2  }
0x68: {  	[tilespmem:s24], [sflag:$0x1] =	stream.indirect_vreg.gather [hbm4b:s1+s3], $0x80, v4, vm0, $0xb8;
	[tilespmem:$0x18400] =	vst v63  }
0x69: {  	_ = 	snop  }
0x6a: {  	[tilespmem:s25], [sflag:$0x1] =	stream.indirect_vreg.gather [hbm4b:s1+s3], $0x80, v3, vm0, $0xb8;
	[tilespmem:$0x18400] =	vst v63  }
0x6b: {  	v3 =	vld [tilespmem:$0x270];
	_ =	sdelay $0x4  }
0x6c: {  	v39 =	vshll.u32 v3, $0x1  }
0x6d: {  	v3 =	vand.u32 $0x7, v3;
	v4 =	vand.u32 $0xFFFFFFF0, v39  }
0x6e: {  	v3 =	vor.u32 v3, v4  }
0x6f: {  	v4 =	vperm.xlane v3, v0;
	_ =	sdelay $0x1  }
0x70: {  	v3 =	vperm.xlane v3, v2;
	v4 =	vadd.s32 v1, v4;
	_ =	sdelay $0x1  }
0x71: {  	v3 =	vadd.s32 v1, v3;
	_ =	sdelay $0x2  }
0x72: {  	[tilespmem:s26], [sflag:$0x1] =	stream.indirect_vreg.gather [hbm4b:s1+s3], $0x80, v4, vm0, $0xb8;
	[tilespmem:$0x18400] =	vst v63  }
0x73: {  	_ = 	snop  }
0x74: {  	[tilespmem:s28], [sflag:$0x1] =	stream.indirect_vreg.gather [hbm4b:s1+s3], $0x80, v3, vm0, $0xb8;
	[tilespmem:$0x18400] =	vst v63  }
0x75: {  	v3 =	vld [tilespmem:$0x280];
	_ =	sdelay $0x4  }
0x76: {  	v40 =	vshll.u32 v3, $0x1  }
0x77: {  	v3 =	vand.u32 $0x7, v3;
	v4 =	vand.u32 $0xFFFFFFF0, v40  }
0x78: {  	v3 =	vor.u32 v3, v4  }
0x79: {  	v4 =	vperm.xlane v3, v0;
	_ =	sdelay $0x1  }
0x7a: {  	v3 =	vperm.xlane v3, v2;
	v4 =	vadd.s32 v1, v4;
	_ =	sdelay $0x1  }
0x7b: {  	v3 =	vadd.s32 v1, v3;
	_ =	sdelay $0x2  }
0x7c: {  	[tilespmem:s29], [sflag:$0x1] =	stream.indirect_vreg.gather [hbm4b:s1+s3], $0x80, v4, vm0, $0xb8;
	[tilespmem:$0x18400] =	vst v63  }
0x7d: {  	s4 =	simm.s32 $0x8C00  }
0x7e: {  	[tilespmem:s4], [sflag:$0x1] =	stream.indirect_vreg.gather [hbm4b:s1+s3], $0x80, v3, vm0, $0xb8;
	[tilespmem:$0x18400] =	vst v63  }
0x7f: {  	v3 =	vld [tilespmem:$0x290];
	_ =	sdelay $0x4  }
0x80: {  	v41 =	vshll.u32 v3, $0x1  }
0x81: {  	v3 =	vand.u32 $0x7, v3;
	v4 =	vand.u32 $0xFFFFFFF0, v41  }
0x82: {  	v3 =	vor.u32 v3, v4  }
0x83: {  	v4 =	vperm.xlane v3, v0;
	_ =	sdelay $0x1  }
0x84: {  	v3 =	vperm.xlane v3, v2;
	v4 =	vadd.s32 v1, v4;
	_ =	sdelay $0x1  }
0x85: {  	v3 =	vadd.s32 v1, v3;
	_ =	sdelay $0x1  }
0x86: {  	s5 =	simm.s32 $0x9400  }
0x87: {  	[tilespmem:s5], [sflag:$0x1] =	stream.indirect_vreg.gather [hbm4b:s1+s3], $0x80, v4, vm0, $0xb8;
	[tilespmem:$0x18400] =	vst v63  }
0x88: {  	s10 =	simm.s32 $0x9C00  }
0x89: {  	[tilespmem:s10], [sflag:$0x1] =	stream.indirect_vreg.gather [hbm4b:s1+s3], $0x80, v3, vm0, $0xb8;
	[tilespmem:$0x18400] =	vst v63  }
0x8a: {  	v3 =	vld [tilespmem:$0x2A0];
	_ =	sdelay $0x4  }
0x8b: {  	v42 =	vshll.u32 v3, $0x1  }
0x8c: {  	v3 =	vand.u32 $0x7, v3;
	v4 =	vand.u32 $0xFFFFFFF0, v42  }
0x8d: {  	v3 =	vor.u32 v3, v4  }
0x8e: {  	v4 =	vperm.xlane v3, v0;
	_ =	sdelay $0x1  }
0x8f: {  	v3 =	vperm.xlane v3, v2;
	v4 =	vadd.s32 v1, v4;
	_ =	sdelay $0x1  }
0x90: {  	v3 =	vadd.s32 v1, v3;
	_ =	sdelay $0x1  }
0x91: {  	s5 =	simm.s32 $0xA400  }
0x92: {  	[tilespmem:s5], [sflag:$0x1] =	stream.indirect_vreg.gather [hbm4b:s1+s3], $0x80, v4, vm0, $0xb8;
	[tilespmem:$0x18400] =	vst v63  }
0x93: {  	s10 =	simm.s32 $0xAC00  }
0x94: {  	[tilespmem:s10], [sflag:$0x1] =	stream.indirect_vreg.gather [hbm4b:s1+s3], $0x80, v3, vm0, $0xb8;
	[tilespmem:$0x18400] =	vst v63  }
0x95: {  	v3 =	vld [tilespmem:$0x2B0];
	_ =	sdelay $0x4  }
0x96: {  	v43 =	vshll.u32 v3, $0x1  }
0x97: {  	v3 =	vand.u32 $0x7, v3;
	v4 =	vand.u32 $0xFFFFFFF0, v43  }
0x98: {  	v3 =	vor.u32 v3, v4  }
0x99: {  	v4 =	vperm.xlane v3, v0;
	_ =	sdelay $0x1  }
0x9a: {  	v3 =	vperm.xlane v3, v2;
	v4 =	vadd.s32 v1, v4;
	_ =	sdelay $0x1  }
0x9b: {  	v3 =	vadd.s32 v1, v3;
	_ =	sdelay $0x1  }
0x9c: {  	s5 =	simm.s32 $0xB400  }
0x9d: {  	[tilespmem:s5], [sflag:$0x1] =	stream.indirect_vreg.gather [hbm4b:s1+s3], $0x80, v4, vm0, $0xb8;
	[tilespmem:$0x18400] =	vst v63  }
0x9e: {  	s10 =	simm.s32 $0xBC00  }
0x9f: {  	[tilespmem:s10], [sflag:$0x1] =	stream.indirect_vreg.gather [hbm4b:s1+s3], $0x80, v3, vm0, $0xb8;
	[tilespmem:$0x18400] =	vst v63  }
0xa0: {  	v3 =	vld [tilespmem:$0x2C0];
	_ =	sdelay $0x4  }
0xa1: {  	v44 =	vshll.u32 v3, $0x1  }
0xa2: {  	v3 =	vand.u32 $0x7, v3;
	v4 =	vand.u32 $0xFFFFFFF0, v44  }
0xa3: {  	v3 =	vor.u32 v3, v4  }
0xa4: {  	v4 =	vperm.xlane v3, v0;
	_ =	sdelay $0x1  }
0xa5: {  	v3 =	vperm.xlane v3, v2;
	v4 =	vadd.s32 v1, v4;
	_ =	sdelay $0x1  }
0xa6: {  	v3 =	vadd.s32 v1, v3;
	_ =	sdelay $0x1  }
0xa7: {  	s5 =	simm.s32 $0xC400  }
0xa8: {  	[tilespmem:s5], [sflag:$0x1] =	stream.indirect_vreg.gather [hbm4b:s1+s3], $0x80, v4, vm0, $0xb8;
	[tilespmem:$0x18400] =	vst v63  }
0xa9: {  	s10 =	simm.s32 $0xCC00  }
0xaa: {  	[tilespmem:s10], [sflag:$0x1] =	stream.indirect_vreg.gather [hbm4b:s1+s3], $0x80, v3, vm0, $0xb8;
	[tilespmem:$0x18400] =	vst v63  }
0xab: {  	v3 =	vld [tilespmem:$0x2D0];
	_ =	sdelay $0x4  }
0xac: {  	v45 =	vshll.u32 v3, $0x1  }
0xad: {  	v3 =	vand.u32 $0x7, v3;
	v4 =	vand.u32 $0xFFFFFFF0, v45  }
0xae: {  	v3 =	vor.u32 v3, v4  }
0xaf: {  	v4 =	vperm.xlane v3, v0;
	_ =	sdelay $0x1  }
0xb0: {  	v3 =	vperm.xlane v3, v2;
	v4 =	vadd.s32 v1, v4;
	_ =	sdelay $0x1  }
0xb1: {  	v3 =	vadd.s32 v1, v3;
	_ =	sdelay $0x1  }
0xb2: {  	s5 =	simm.s32 $0xD400  }
0xb3: {  	[tilespmem:s5], [sflag:$0x1] =	stream.indirect_vreg.gather [hbm4b:s1+s3], $0x80, v4, vm0, $0xb8;
	[tilespmem:$0x18400] =	vst v63  }
0xb4: {  	s10 =	simm.s32 $0xDC00  }
0xb5: {  	[tilespmem:s10], [sflag:$0x1] =	stream.indirect_vreg.gather [hbm4b:s1+s3], $0x80, v3, vm0, $0xb8;
	[tilespmem:$0x18400] =	vst v63  }
0xb6: {  	v3 =	vld [tilespmem:$0x2E0];
	_ =	sdelay $0x4  }
0xb7: {  	v46 =	vshll.u32 v3, $0x1  }
0xb8: {  	v3 =	vand.u32 $0x7, v3;
	v4 =	vand.u32 $0xFFFFFFF0, v46  }
0xb9: {  	v3 =	vor.u32 v3, v4  }
0xba: {  	v4 =	vperm.xlane v3, v0;
	_ =	sdelay $0x1  }
0xbb: {  	v3 =	vperm.xlane v3, v2;
	v4 =	vadd.s32 v1, v4;
	_ =	sdelay $0x1  }
0xbc: {  	v3 =	vadd.s32 v1, v3;
	_ =	sdelay $0x1  }
0xbd: {  	s5 =	simm.s32 $0xE400  }
0xbe: {  	[tilespmem:s5], [sflag:$0x1] =	stream.indirect_vreg.gather [hbm4b:s1+s3], $0x80, v4, vm0, $0xb8;
	[tilespmem:$0x18400] =	vst v63  }
0xbf: {  	s10 =	simm.s32 $0xEC00  }
0xc0: {  	[tilespmem:s10], [sflag:$0x1] =	stream.indirect_vreg.gather [hbm4b:s1+s3], $0x80, v3, vm0, $0xb8;
	[tilespmem:$0x18400] =	vst v63  }
0xc1: {  	v3 =	vld [tilespmem:$0x2F0];
	_ =	sdelay $0x4  }
0xc2: {  	v47 =	vshll.u32 v3, $0x1  }
0xc3: {  	v3 =	vand.u32 $0x7, v3;
	v4 =	vand.u32 $0xFFFFFFF0, v47  }
0xc4: {  	v3 =	vor.u32 v3, v4  }
0xc5: {  	v4 =	vperm.xlane v3, v0;
	_ =	sdelay $0x1  }
0xc6: {  	v3 =	vperm.xlane v3, v2;
	v4 =	vadd.s32 v1, v4;
	_ =	sdelay $0x1  }
0xc7: {  	v3 =	vadd.s32 v1, v3;
	_ =	sdelay $0x1  }
0xc8: {  	s5 =	simm.s32 $0xF400  }
0xc9: {  	[tilespmem:s5], [sflag:$0x1] =	stream.indirect_vreg.gather [hbm4b:s1+s3], $0x80, v4, vm0, $0xb8;
	[tilespmem:$0x18400] =	vst v63  }
0xca: {  	s10 =	simm.s32 $0xFC00  }
0xcb: {  	[tilespmem:s10], [sflag:$0x1] =	stream.indirect_vreg.gather [hbm4b:s1+s3], $0x80, v3, vm0, $0xb8;
	[tilespmem:$0x18400] =	vst v63  }
0xcc: {  	_ =	swait.ge [sflag:s30], $0x8000  }
0xcd: {  	[sflag:s30] =	ssyncset.done $0x0  }
0xce: {  	s5 =	rddreg [dreg:$0x5];
	[sflag:s30] =	ssyncadd.s32 $0xFFFF8000  }
0xcf: {  	[hbm4b:s5+s3] =	stream.linear.scatter [tilespmem:s11], [sflag:$0x2], $0x8000, $0x38;
	[tilespmem:$0x18400] =	vst v63  }
0xd0: {  	v3 =	vld [tilespmem:$0x300];
	_ =	sdelay $0x4  }
0xd1: {  	v48 =	vshll.u32 v3, $0x1  }
0xd2: {  	v3 =	vand.u32 $0x7, v3;
	v4 =	vand.u32 $0xFFFFFFF0, v48  }
0xd3: {  	v3 =	vor.u32 v3, v4  }
0xd4: {  	v4 =	vperm.xlane v3, v0;
	_ =	sdelay $0x1  }
0xd5: {  	v3 =	vperm.xlane v3, v2;
	v4 =	vadd.s32 v1, v4;
	_ =	sdelay $0x1  }
0xd6: {  	v3 =	vadd.s32 v1, v3;
	_ =	sdelay $0x2  }
0xd7: {  	[tilespmem:s31], [sflag:$0x1] =	stream.indirect_vreg.gather [hbm4b:s1+s3], $0x80, v4, vm0, $0xb8;
	[tilespmem:$0x18400] =	vst v63  }
0xd8: {  	s10 =	simm.s32 $0x10C00  }
0xd9: {  	[tilespmem:s10], [sflag:$0x1] =	stream.indirect_vreg.gather [hbm4b:s1+s3], $0x80, v3, vm0, $0xb8;
	[tilespmem:$0x18400] =	vst v63  }
0xda: {  	v3 =	vld [tilespmem:$0x310];
	_ =	sdelay $0x4  }
0xdb: {  	v49 =	vshll.u32 v3, $0x1  }
0xdc: {  	v3 =	vand.u32 $0x7, v3;
	v4 =	vand.u32 $0xFFFFFFF0, v49  }
0xdd: {  	v3 =	vor.u32 v3, v4  }
0xde: {  	v4 =	vperm.xlane v3, v0;
	_ =	sdelay $0x1  }
0xdf: {  	v3 =	vperm.xlane v3, v2;
	v4 =	vadd.s32 v1, v4;
	_ =	sdelay $0x1  }
0xe0: {  	v3 =	vadd.s32 v1, v3;
	_ =	sdelay $0x1  }
0xe1: {  	s5 =	simm.s32 $0x11400  }
0xe2: {  	[tilespmem:s5], [sflag:$0x1] =	stream.indirect_vreg.gather [hbm4b:s1+s3], $0x80, v4, vm0, $0xb8;
	[tilespmem:$0x18400] =	vst v63  }
0xe3: {  	s10 =	simm.s32 $0x11C00  }
0xe4: {  	[tilespmem:s10], [sflag:$0x1] =	stream.indirect_vreg.gather [hbm4b:s1+s3], $0x80, v3, vm0, $0xb8;
	[tilespmem:$0x18400] =	vst v63  }
0xe5: {  	v3 =	vld [tilespmem:$0x320];
	_ =	sdelay $0x4  }
0xe6: {  	v50 =	vshll.u32 v3, $0x1  }
0xe7: {  	v3 =	vand.u32 $0x7, v3;
	v4 =	vand.u32 $0xFFFFFFF0, v50  }
0xe8: {  	v3 =	vor.u32 v3, v4  }
0xe9: {  	v4 =	vperm.xlane v3, v0;
	_ =	sdelay $0x1  }
0xea: {  	v3 =	vperm.xlane v3, v2;
	v4 =	vadd.s32 v1, v4;
	_ =	sdelay $0x1  }
0xeb: {  	v3 =	vadd.s32 v1, v3;
	_ =	sdelay $0x1  }
0xec: {  	s5 =	simm.s32 $0x12400  }
0xed: {  	[tilespmem:s5], [sflag:$0x1] =	stream.indirect_vreg.gather [hbm4b:s1+s3], $0x80, v4, vm0, $0xb8;
	[tilespmem:$0x18400] =	vst v63  }
0xee: {  	s10 =	simm.s32 $0x12C00  }
0xef: {  	[tilespmem:s10], [sflag:$0x1] =	stream.indirect_vreg.gather [hbm4b:s1+s3], $0x80, v3, vm0, $0xb8;
	[tilespmem:$0x18400] =	vst v63  }
0xf0: {  	v3 =	vld [tilespmem:$0x330];
	_ =	sdelay $0x4  }
0xf1: {  	v51 =	vshll.u32 v3, $0x1  }
0xf2: {  	v3 =	vand.u32 $0x7, v3;
	v4 =	vand.u32 $0xFFFFFFF0, v51  }
0xf3: {  	v3 =	vor.u32 v3, v4  }
0xf4: {  	v4 =	vperm.xlane v3, v0;
	_ =	sdelay $0x1  }
0xf5: {  	v3 =	vperm.xlane v3, v2;
	v4 =	vadd.s32 v1, v4;
	_ =	sdelay $0x1  }
0xf6: {  	v3 =	vadd.s32 v1, v3;
	_ =	sdelay $0x1  }
0xf7: {  	s5 =	simm.s32 $0x13400  }
0xf8: {  	[tilespmem:s5], [sflag:$0x1] =	stream.indirect_vreg.gather [hbm4b:s1+s3], $0x80, v4, vm0, $0xb8;
	[tilespmem:$0x18400] =	vst v63  }
0xf9: {  	s10 =	simm.s32 $0x13C00  }
0xfa: {  	[tilespmem:s10], [sflag:$0x1] =	stream.indirect_vreg.gather [hbm4b:s1+s3], $0x80, v3, vm0, $0xb8;
	[tilespmem:$0x18400] =	vst v63  }
0xfb: {  	v3 =	vld [tilespmem:$0x340];
	_ =	sdelay $0x4  }
0xfc: {  	v52 =	vshll.u32 v3, $0x1  }
0xfd: {  	v3 =	vand.u32 $0x7, v3;
	v4 =	vand.u32 $0xFFFFFFF0, v52  }
0xfe: {  	v3 =	vor.u32 v3, v4  }
0xff: {  	v4 =	vperm.xlane v3, v0;
	_ =	sdelay $0x1  }
0x100: {  	v3 =	vperm.xlane v3, v2;
	v4 =	vadd.s32 v1, v4;
	_ =	sdelay $0x1  }
0x101: {  	v3 =	vadd.s32 v1, v3;
	_ =	sdelay $0x1  }
0x102: {  	s5 =	simm.s32 $0x14400  }
0x103: {  	[tilespmem:s5], [sflag:$0x1] =	stream.indirect_vreg.gather [hbm4b:s1+s3], $0x80, v4, vm0, $0xb8;
	[tilespmem:$0x18400] =	vst v63  }
0x104: {  	s10 =	simm.s32 $0x14C00  }
0x105: {  	[tilespmem:s10], [sflag:$0x1] =	stream.indirect_vreg.gather [hbm4b:s1+s3], $0x80, v3, vm0, $0xb8;
	[tilespmem:$0x18400] =	vst v63  }
0x106: {  	v3 =	vld [tilespmem:$0x350];
	_ =	sdelay $0x4  }
0x107: {  	v53 =	vshll.u32 v3, $0x1  }
0x108: {  	v3 =	vand.u32 $0x7, v3;
	v4 =	vand.u32 $0xFFFFFFF0, v53  }
0x109: {  	v3 =	vor.u32 v3, v4  }
0x10a: {  	v4 =	vperm.xlane v3, v0;
	_ =	sdelay $0x1  }
0x10b: {  	v3 =	vperm.xlane v3, v2;
	v4 =	vadd.s32 v1, v4;
	_ =	sdelay $0x1  }
0x10c: {  	v3 =	vadd.s32 v1, v3;
	_ =	sdelay $0x1  }
0x10d: {  	s5 =	simm.s32 $0x15400  }
0x10e: {  	[tilespmem:s5], [sflag:$0x1] =	stream.indirect_vreg.gather [hbm4b:s1+s3], $0x80, v4, vm0, $0xb8;
	[tilespmem:$0x18400] =	vst v63  }
0x10f: {  	s10 =	simm.s32 $0x15C00  }
0x110: {  	[tilespmem:s10], [sflag:$0x1] =	stream.indirect_vreg.gather [hbm4b:s1+s3], $0x80, v3, vm0, $0xb8;
	[tilespmem:$0x18400] =	vst v63  }
0x111: {  	v3 =	vld [tilespmem:$0x360];
	_ =	sdelay $0x4  }
0x112: {  	v54 =	vshll.u32 v3, $0x1  }
0x113: {  	v3 =	vand.u32 $0x7, v3;
	v4 =	vand.u32 $0xFFFFFFF0, v54  }
0x114: {  	v3 =	vor.u32 v3, v4  }
0x115: {  	v4 =	vperm.xlane v3, v0;
	_ =	sdelay $0x1  }
0x116: {  	v3 =	vperm.xlane v3, v2;
	v4 =	vadd.s32 v1, v4;
	_ =	sdelay $0x1  }
0x117: {  	v3 =	vadd.s32 v1, v3;
	_ =	sdelay $0x1  }
0x118: {  	s5 =	simm.s32 $0x16400  }
0x119: {  	[tilespmem:s5], [sflag:$0x1] =	stream.indirect_vreg.gather [hbm4b:s1+s3], $0x80, v4, vm0, $0xb8;
	[tilespmem:$0x18400] =	vst v63  }
0x11a: {  	s10 =	simm.s32 $0x16C00  }
0x11b: {  	[tilespmem:s10], [sflag:$0x1] =	stream.indirect_vreg.gather [hbm4b:s1+s3], $0x80, v3, vm0, $0xb8;
	[tilespmem:$0x18400] =	vst v63  }
0x11c: {  	v3 =	vld [tilespmem:$0x370];
	_ =	sdelay $0x4  }
0x11d: {  	v55 =	vshll.u32 v3, $0x1  }
0x11e: {  	v3 =	vand.u32 $0x7, v3;
	v4 =	vand.u32 $0xFFFFFFF0, v55  }
0x11f: {  	v3 =	vor.u32 v3, v4  }
0x120: {  	v4 =	vperm.xlane v3, v0;
	_ =	sdelay $0x1  }
0x121: {  	v3 =	vperm.xlane v3, v2;
	v4 =	vadd.s32 v1, v4;
	_ =	sdelay $0x1  }
0x122: {  	v3 =	vadd.s32 v1, v3;
	_ =	sdelay $0x1  }
0x123: {  	s5 =	simm.s32 $0x17400  }
0x124: {  	[tilespmem:s5], [sflag:$0x1] =	stream.indirect_vreg.gather [hbm4b:s1+s3], $0x80, v4, vm0, $0xb8;
	[tilespmem:$0x18400] =	vst v63  }
0x125: {  	s10 =	simm.s32 $0x17C00  }
0x126: {  	[tilespmem:s10], [sflag:$0x1] =	stream.indirect_vreg.gather [hbm4b:s1+s3], $0x80, v3, vm0, $0xb8;
	[tilespmem:$0x18400] =	vst v63  }
0x127: {  	_ =	swait.ge [sflag:s30], $0x8000  }
0x128: {  	[sflag:s30] =	ssyncset.done $0x0  }
0x129: {  	[sflag:s30] =	ssyncadd.s32 $0xFFFF8000  }
0x12a: {  	[hbm4b:s6+s3] =	stream.linear.scatter [tilespmem:s29], [sflag:$0x2], $0x8000, $0x38;
	[tilespmem:$0x18400] =	vst v63  }
0x12b: {  	_ =	swait.ge [sflag:s2], $0x8000  }
0x12c: {  	[sflag:s2] =	ssyncset.done $0x0  }
0x12d: {  	[sflag:s2] =	ssyncadd.s32 $0xFFFF8000  }
0x12e: {  	v3 =	vld [tilespmem:$0x380];
	_ =	sdelay $0x4  }
0x12f: {  	v56 =	vshll.u32 v3, $0x1  }
0x130: {  	v3 =	vand.u32 $0x7, v3;
	v4 =	vand.u32 $0xFFFFFFF0, v56  }
0x131: {  	v3 =	vor.u32 v3, v4  }
0x132: {  	v4 =	vperm.xlane v3, v0;
	_ =	sdelay $0x1  }
0x133: {  	v3 =	vperm.xlane v3, v2;
	v4 =	vadd.s32 v1, v4;
	_ =	sdelay $0x1  }
0x134: {  	v3 =	vadd.s32 v1, v3;
	_ =	sdelay $0x2  }
0x135: {  	[tilespmem:s11], [sflag:$0x1] =	stream.indirect_vreg.gather [hbm4b:s1+s3], $0x80, v4, vm0, $0xb8;
	[tilespmem:$0x18400] =	vst v63  }
0x136: {  	_ = 	snop  }
0x137: {  	[tilespmem:s13], [sflag:$0x1] =	stream.indirect_vreg.gather [hbm4b:s1+s3], $0x80, v3, vm0, $0xb8;
	[tilespmem:$0x18400] =	vst v63  }
0x138: {  	v3 =	vld [tilespmem:$0x390];
	_ =	sdelay $0x4  }
0x139: {  	v57 =	vshll.u32 v3, $0x1  }
0x13a: {  	v3 =	vand.u32 $0x7, v3;
	v4 =	vand.u32 $0xFFFFFFF0, v57  }
0x13b: {  	v3 =	vor.u32 v3, v4  }
0x13c: {  	v4 =	vperm.xlane v3, v0;
	_ =	sdelay $0x1  }
0x13d: {  	v3 =	vperm.xlane v3, v2;
	v4 =	vadd.s32 v1, v4;
	_ =	sdelay $0x1  }
0x13e: {  	v3 =	vadd.s32 v1, v3;
	_ =	sdelay $0x2  }
0x13f: {  	[tilespmem:s14], [sflag:$0x1] =	stream.indirect_vreg.gather [hbm4b:s1+s3], $0x80, v4, vm0, $0xb8;
	[tilespmem:$0x18400] =	vst v63  }
0x140: {  	_ = 	snop  }
0x141: {  	[tilespmem:s15], [sflag:$0x1] =	stream.indirect_vreg.gather [hbm4b:s1+s3], $0x80, v3, vm0, $0xb8;
	[tilespmem:$0x18400] =	vst v63  }
0x142: {  	v3 =	vld [tilespmem:$0x3A0];
	_ =	sdelay $0x4  }
0x143: {  	v58 =	vshll.u32 v3, $0x1  }
0x144: {  	v3 =	vand.u32 $0x7, v3;
	v4 =	vand.u32 $0xFFFFFFF0, v58  }
0x145: {  	v3 =	vor.u32 v3, v4  }
0x146: {  	v4 =	vperm.xlane v3, v0;
	_ =	sdelay $0x1  }
0x147: {  	v3 =	vperm.xlane v3, v2;
	v4 =	vadd.s32 v1, v4;
	_ =	sdelay $0x1  }
0x148: {  	v3 =	vadd.s32 v1, v3;
	_ =	sdelay $0x2  }
0x149: {  	[tilespmem:s16], [sflag:$0x1] =	stream.indirect_vreg.gather [hbm4b:s1+s3], $0x80, v4, vm0, $0xb8;
	[tilespmem:$0x18400] =	vst v63  }
0x14a: {  	_ = 	snop  }
0x14b: {  	[tilespmem:s17], [sflag:$0x1] =	stream.indirect_vreg.gather [hbm4b:s1+s3], $0x80, v3, vm0, $0xb8;
	[tilespmem:$0x18400] =	vst v63  }
0x14c: {  	v3 =	vld [tilespmem:$0x3B0];
	_ =	sdelay $0x4  }
0x14d: {  	v59 =	vshll.u32 v3, $0x1  }
0x14e: {  	v3 =	vand.u32 $0x7, v3;
	v4 =	vand.u32 $0xFFFFFFF0, v59  }
0x14f: {  	v3 =	vor.u32 v3, v4  }
0x150: {  	v4 =	vperm.xlane v3, v0;
	_ =	sdelay $0x1  }
0x151: {  	v3 =	vperm.xlane v3, v2;
	v4 =	vadd.s32 v1, v4;
	_ =	sdelay $0x1  }
0x152: {  	v3 =	vadd.s32 v1, v3;
	_ =	sdelay $0x2  }
0x153: {  	[tilespmem:s18], [sflag:$0x1] =	stream.indirect_vreg.gather [hbm4b:s1+s3], $0x80, v4, vm0, $0xb8;
	[tilespmem:$0x18400] =	vst v63  }
0x154: {  	_ = 	snop  }
0x155: {  	[tilespmem:s19], [sflag:$0x1] =	stream.indirect_vreg.gather [hbm4b:s1+s3], $0x80, v3, vm0, $0xb8;
	[tilespmem:$0x18400] =	vst v63  }
0x156: {  	v3 =	vld [tilespmem:$0x3C0];
	_ =	sdelay $0x4  }
0x157: {  	v60 =	vshll.u32 v3, $0x1  }
0x158: {  	v3 =	vand.u32 $0x7, v3;
	v4 =	vand.u32 $0xFFFFFFF0, v60  }
0x159: {  	v3 =	vor.u32 v3, v4  }
0x15a: {  	v4 =	vperm.xlane v3, v0;
	_ =	sdelay $0x1  }
0x15b: {  	v3 =	vperm.xlane v3, v2;
	v4 =	vadd.s32 v1, v4;
	_ =	sdelay $0x1  }
0x15c: {  	v3 =	vadd.s32 v1, v3;
	_ =	sdelay $0x2  }
0x15d: {  	[tilespmem:s20], [sflag:$0x1] =	stream.indirect_vreg.gather [hbm4b:s1+s3], $0x80, v4, vm0, $0xb8;
	[tilespmem:$0x18400] =	vst v63  }
0x15e: {  	_ = 	snop  }
0x15f: {  	[tilespmem:s21], [sflag:$0x1] =	stream.indirect_vreg.gather [hbm4b:s1+s3], $0x80, v3, vm0, $0xb8;
	[tilespmem:$0x18400] =	vst v63  }
0x160: {  	v3 =	vld [tilespmem:$0x3D0];
	_ =	sdelay $0x4  }
0x161: {  	v61 =	vshll.u32 v3, $0x1  }
0x162: {  	v3 =	vand.u32 $0x7, v3;
	v4 =	vand.u32 $0xFFFFFFF0, v61  }
0x163: {  	v3 =	vor.u32 v3, v4  }
0x164: {  	v4 =	vperm.xlane v3, v0;
	_ =	sdelay $0x1  }
0x165: {  	v3 =	vperm.xlane v3, v2;
	v4 =	vadd.s32 v1, v4;
	_ =	sdelay $0x1  }
0x166: {  	v3 =	vadd.s32 v1, v3;
	_ =	sdelay $0x2  }
0x167: {  	[tilespmem:s22], [sflag:$0x1] =	stream.indirect_vreg.gather [hbm4b:s1+s3], $0x80, v4, vm0, $0xb8;
	[tilespmem:$0x18400] =	vst v63  }
0x168: {  	_ = 	snop  }
0x169: {  	[tilespmem:s23], [sflag:$0x1] =	stream.indirect_vreg.gather [hbm4b:s1+s3], $0x80, v3, vm0, $0xb8;
	[tilespmem:$0x18400] =	vst v63  }
0x16a: {  	v3 =	vld [tilespmem:$0x3E0];
	_ =	sdelay $0x4  }
0x16b: {  	v62 =	vshll.u32 v3, $0x1  }
0x16c: {  	v3 =	vand.u32 $0x7, v3;
	v4 =	vand.u32 $0xFFFFFFF0, v62  }
0x16d: {  	v3 =	vor.u32 v3, v4  }
0x16e: {  	v4 =	vperm.xlane v3, v0;
	_ =	sdelay $0x1  }
0x16f: {  	v3 =	vperm.xlane v3, v2;
	v4 =	vadd.s32 v1, v4;
	_ =	sdelay $0x1  }
0x170: {  	v3 =	vadd.s32 v1, v3;
	_ =	sdelay $0x2  }
0x171: {  	[tilespmem:s24], [sflag:$0x1] =	stream.indirect_vreg.gather [hbm4b:s1+s3], $0x80, v4, vm0, $0xb8;
	[tilespmem:$0x18400] =	vst v63  }
0x172: {  	_ = 	snop  }
0x173: {  	[tilespmem:s25], [sflag:$0x1] =	stream.indirect_vreg.gather [hbm4b:s1+s3], $0x80, v3, vm0, $0xb8;
	[tilespmem:$0x18400] =	vst v63  }
0x174: {  	v3 =	vld [tilespmem:$0x3F0];
	_ =	sdelay $0x4  }
0x175: {  	v63 =	vshll.u32 v3, $0x1  }
0x176: {  	v3 =	vand.u32 $0x7, v3;
	v4 =	vand.u32 $0xFFFFFFF0, v63  }
0x177: {  	v3 =	vor.u32 v3, v4  }
0x178: {  	v4 =	vperm.xlane v3, v0;
	_ =	sdelay $0x1  }
0x179: {  	v3 =	vperm.xlane v3, v2;
	v4 =	vadd.s32 v1, v4;
	_ =	sdelay $0x1  }
0x17a: {  	v3 =	vadd.s32 v1, v3;
	_ =	sdelay $0x2  }
0x17b: {  	[tilespmem:s26], [sflag:$0x1] =	stream.indirect_vreg.gather [hbm4b:s1+s3], $0x80, v4, vm0, $0xb8;
	[tilespmem:$0x18400] =	vst v63  }
0x17c: {  	_ = 	snop  }
0x17d: {  	[tilespmem:s28], [sflag:$0x1] =	stream.indirect_vreg.gather [hbm4b:s1+s3], $0x80, v3, vm0, $0xb8;
	[tilespmem:$0x18400] =	vst v63  }
0x17e: {  	_ =	swait.ge [sflag:s30], $0x8000  }
0x17f: {  	[sflag:s30] =	ssyncset.done $0x0  }
0x180: {  	[sflag:s30] =	ssyncadd.s32 $0xFFFF8000  }
0x181: {  	[hbm4b:s7+s3] =	stream.linear.scatter [tilespmem:s31], [sflag:$0x2], $0x8000, $0x38;
	[tilespmem:$0x18400] =	vst v63  }
0x182: {  	_ =	swait.ge [sflag:s30], $0x8000  }
0x183: {  	[sflag:s30] =	ssyncset.done $0x0  }
0x184: {  	[sflag:s30] =	ssyncadd.s32 $0xFFFF8000  }
0x185: {  	[hbm4b:s8+s3] =	stream.linear.scatter [tilespmem:s11], [sflag:$0x2], $0x8000, $0x38;
	[tilespmem:$0x18400] =	vst v63  }
0x186: {  	_ =	swait.ge [sflag:s2], $0x8000  }
0x187: {  	[sflag:s2] =	ssyncset.done $0x0  }
0x188: {  	s0 =	sadd.s32 $0x1, s0;
	[sflag:s2] =	ssyncadd.s32 $0xFFFF8000  }
0x189: {  	p0 =	sne.s32 s0, s9;
	_ =	swait.ge [sflag:s2], $0x8000  }
.Ltmp1:
0x18a: {  	[sflag:s2] =	ssyncset.done $0x0;
	(pc) =	sbr.rel @p0 .LBB2_1-.Ltmp1, $4  }
0x18b: {  	[sflag:s2] =	ssyncadd.s32 $0xFFFF8000  }
0x18c: {  	_ =	swait.ge [sflag:s2], $0x8000  }
0x18d: {  	[sflag:s2] =	ssyncset.done $0x0  }
0x18e: {  	[sflag:s2] =	ssyncadd.s32 $0xFFFF8000  }
0x18f: {  	_ =	sfence.sel $0x180000  }
0x190: {  	[bflag:$0x0] =	sbarrier.arrive $0xFFFF  }
0x191: {  	_ =	strace $0x9000004A  }
0x192: {  	s0 =	stileid.u32;
	[bflag:$0x2] =	sbarrier.arrive $0xFFFF  }
0x193: {  	p0 =	sne.s32 s0, $0x0;
	s0 =	rddreg [dreg:$0x3]  }
0x194: {  	s0 =	sadd.s32 @!p0 $0x100000, s0  }
0x195: {  	[sflag:s0] =	ssyncadd.tile.s32 @!p0 $0x1;
	_ =	shalt  }
.Lfunc_end2:
_tile_overlayer_lowered:
.L_overlay_start_2:
0x196: {  	(tag) =	ssettag $0x2  }
0x197: {  	s0 =	rddreg [dreg:$0x0];
	s2 =	stileid.u32  }
0x198: {  	s1 =	rddreg [dreg:$0x1];
	p0 =	sne.s32 s2, $0x0  }
0x199: {  	s3 =	rddreg [dreg:$0x2];
	[bflag:$0x3] =	sbarrier.arrive $0xFFFF;
	s2 =	simm.s32 @!p0 $0x1C03  }
0x19a: {  	[timem:s3], [sflag:s2] =	dma.local @!p0 [hbm:s0], s1  }
0x19b: {  	s0 =	simm.s32 @!p0 $0x3  }
0x19c: {  	_ =	swait.ge @!p0 [sflag:s0], s1  }
0x19d: {  	s1 =	ssub.s32 @!p0 $0x0, s1;
	[sflag:s0] =	ssyncset.done @!p0 $0x0  }
0x19e: {  	[sflag:s0] =	ssyncadd.s32 @!p0 s1  }
0x19f: {  	[bflag:$0x3] =	sbarrier.arrive $0xFFFF  }
0x1a0: {  	_ =	shalt  }

</sc_bundles>
